<compile_context>
chip_gen: v7x
topology: tpu7x:2x2x1
jax: 0.10.2.dev20260603
libtpu: 0.0.44.dev20260713+nightly
codegen_flags: <defaults>
</compile_context>

<pallas_src>
import functools

import jax
import jax.numpy as jnp
from jax import lax
from jax.experimental import pallas as pl
from jax.experimental.pallas import tpu as pltpu
from jax.experimental.pallas import tpu_sc as plsc

NC = 2
NS = 16
NW = NC * NS
L = 16
CHUNK = 128
NCAP = 10000
NCAP_PAD = 10240
ROWS_PER_SUB = NCAP_PAD // NS
D = 128
CROWS = 128


def _round_up(x, m):
    return (x + m - 1) // m * m


def _make_gather_kernel(n_pad, d):
    rows_per_w = n_pad // NW
    n_chunks = rows_per_w // CHUNK
    mesh = plsc.VectorSubcoreMesh(core_axis_name="c", subcore_axis_name="s")

    @functools.partial(
        pl.kernel,
        out_type=jax.ShapeDtypeStruct((n_pad, d), jnp.float32),
        mesh=mesh,
        scratch_types=[
            pltpu.VMEM((1, CHUNK), jnp.int32),
            pltpu.VMEM((CHUNK, d), jnp.float32),
            pltpu.SemaphoreType.DMA,
        ],
    )
    def gather_rows(table_hbm, idx_hbm, out_hbm, idx_v, rows_v, sem):
        wid = lax.axis_index("s") * NC + lax.axis_index("c")
        base = wid * rows_per_w

        def body(j, carry):
            off = base + j * CHUNK
            pltpu.sync_copy(idx_hbm.at[pl.ds(off, CHUNK)], idx_v.at[0])
            pltpu.async_copy(table_hbm.at[idx_v.at[0]], rows_v, sem).wait()
            pltpu.sync_copy(rows_v, out_hbm.at[pl.ds(off, CHUNK)])
            return carry

        lax.fori_loop(0, n_chunks, body, 0)

    return gather_rows


def _make_scores_kernel(n_pad, d, c, blk):

    def body(feats_ref, ce_ref, scale_ref, out_ref):
        x = feats_ref[...]
        nrm = jnp.sqrt(jnp.sum(x * x, axis=1, keepdims=True))
        nrm = jnp.maximum(nrm, 1e-12)
        xn = x / nrm
        scale = jnp.exp(scale_ref[0])
        logits = lax.dot_general(
            xn, ce_ref[...], (((1,), (1,)), ((), ())),
            preferred_element_type=jnp.float32,
        ) * scale
        mx = jnp.max(logits, axis=1, keepdims=True)
        lse = jnp.log(jnp.sum(jnp.exp(logits - mx), axis=1, keepdims=True)) + mx
        out_ref[...] = logits - lse

    grid = (n_pad // blk,)
    return pl.pallas_call(
        body,
        grid=grid,
        in_specs=[
            pl.BlockSpec((blk, d), lambda i: (i, 0)),
            pl.BlockSpec((c, d), lambda i: (0, 0)),
            pl.BlockSpec(memory_space=pltpu.MemorySpace.SMEM),
        ],
        out_specs=pl.BlockSpec((blk, c), lambda i: (i, 0)),
        out_shape=jax.ShapeDtypeStruct((n_pad, c), jnp.float32),
    )


def _make_segment_kernel(n_pad, m_pad):
    pairs_per_w = m_pad // NW
    n_rounds = pairs_per_w // CHUNK
    crows_per_sub = CROWS // NS
    mesh = plsc.VectorSubcoreMesh(core_axis_name="c", subcore_axis_name="s")

    @functools.partial(
        pl.kernel,
        out_type=(
            jax.ShapeDtypeStruct((NC, NCAP_PAD, D), jnp.float32),
            jax.ShapeDtypeStruct((NC, CROWS, D), jnp.float32),
        ),
        mesh=mesh,
        scratch_types=[
            pltpu.VMEM((1, CHUNK), jnp.int32),
            pltpu.VMEM((1, CHUNK), jnp.int32),
            pltpu.VMEM((1, CHUNK), jnp.int32),
            pltpu.VMEM((1, CHUNK), jnp.int32),
            pltpu.VMEM((CHUNK, D), jnp.float32),
            pltpu.VMEM((CHUNK, D), jnp.float32),
            pltpu.VMEM_SHARED((NCAP_PAD, D), jnp.float32),
            pltpu.VMEM_SHARED((CROWS, D), jnp.float32),
            pltpu.SemaphoreType.DMA,
        ],
    )
    def segment_sum(scores_hbm, ctp_hbm, cap_hbm, eye_hbm, zrow_hbm,
                    pooled_hbm, cnt_hbm,
                    ctp_v, cap_v, cmod_v, cdiv_v, rows_v, ones_v,
                    acc, cacc, sem):
        cid = lax.axis_index("c")
        sid = lax.axis_index("s")
        wid = sid * NC + cid
        sl = pl.ds(sid * ROWS_PER_SUB, ROWS_PER_SUB)
        csl = pl.ds(sid * crows_per_sub, crows_per_sub)
        pltpu.sync_copy(zrow_hbm, acc.at[sl])
        pltpu.sync_copy(zrow_hbm.at[pl.ds(0, crows_per_sub)], cacc.at[csl])
        plsc.subcore_barrier()

        base = wid * pairs_per_w

        def round_body(r, carry):
            off = base + r * CHUNK
            pltpu.sync_copy(ctp_hbm.at[pl.ds(off, CHUNK)], ctp_v.at[0])
            pltpu.sync_copy(cap_hbm.at[pl.ds(off, CHUNK)], cap_v.at[0])
            for t in range(CHUNK // L):
                ts = pl.ds(t * L, L)
                cv = cap_v[0, ts]
                cmod_v[0, ts] = jnp.bitwise_and(cv, D - 1)
                cdiv_v[0, ts] = jax.lax.shift_right_logical(cv, 7)
            pltpu.async_copy(scores_hbm.at[ctp_v.at[0]], rows_v, sem).wait()
            pltpu.async_copy(eye_hbm.at[cmod_v.at[0]], ones_v, sem).wait()
            pltpu.sync_copy(rows_v, acc.at[cap_v.at[0]], add=True)
            pltpu.sync_copy(ones_v, cacc.at[cdiv_v.at[0]], add=True)
            return carry

        lax.fori_loop(0, n_rounds, round_body, 0)
        plsc.subcore_barrier()
        pltpu.sync_copy(acc.at[sl], pooled_hbm.at[cid, sl])
        pltpu.sync_copy(cacc.at[csl], cnt_hbm.at[cid, csl])

    return segment_sum


def _make_counts_kernel():

    def body(cc_ref, out_ref):
        out_ref[...] = cc_ref[0] + cc_ref[1]

    return pl.pallas_call(
        body,
        in_specs=[pl.BlockSpec((NC, CROWS, D), lambda: (0, 0, 0))],
        out_specs=pl.BlockSpec((CROWS, D), lambda: (0, 0)),
        out_shape=jax.ShapeDtypeStruct((CROWS, D), jnp.float32),
    )


def _make_finalize_kernel(blk):

    def body(pp_ref, cnt_ref, out_ref, cnt_out_ref):
        p = pp_ref[0] + pp_ref[1]
        c0 = cnt_ref[...]
        cnt_out_ref[...] = c0
        safe = jnp.where(c0 > 0, c0, 1.0)
        denom = jnp.where(c0 > 0, 1.0 / safe, 0.0)
        out_ref[...] = p * denom

    grid = (NCAP_PAD // blk,)
    return pl.pallas_call(
        body,
        grid=grid,
        in_specs=[
            pl.BlockSpec((NC, blk, D), lambda i: (0, i, 0)),
            pl.BlockSpec((blk, 1), lambda i: (i, 0)),
        ],
        out_specs=[
            pl.BlockSpec((blk, D), lambda i: (i, 0)),
            pl.BlockSpec((blk, 1), lambda i: (i, 0)),
        ],
        out_shape=[
            jax.ShapeDtypeStruct((NCAP_PAD, D), jnp.float32),
            jax.ShapeDtypeStruct((NCAP_PAD, 1), jnp.float32),
        ],
    )


@jax.jit
def kernel(adapter_feat, caption_embed, logit_scale, v2p_map,
           caption_to_point_mapping, caption_idx):
    v, d = adapter_feat.shape
    c = caption_embed.shape[0]
    n = v2p_map.shape[0]
    m = caption_to_point_mapping.shape[0]

    n_pad = _round_up(n, NW * CHUNK)
    m_pad = _round_up(m, NW * CHUNK)

    v2p_pad = jnp.concatenate(
        [v2p_map.astype(jnp.int32), jnp.zeros((n_pad - n,), jnp.int32)])
    ctp_pad = jnp.concatenate(
        [caption_to_point_mapping.astype(jnp.int32),
         jnp.zeros((m_pad - m,), jnp.int32)])
    cap_pad = jnp.concatenate(
        [caption_idx.astype(jnp.int32),
         jnp.full((m_pad - m,), NCAP, jnp.int32)])

    feats = _make_gather_kernel(n_pad, d)(adapter_feat, v2p_pad)

    scale_arr = jnp.reshape(logit_scale.astype(jnp.float32), (1,))
    scores = _make_scores_kernel(n_pad, d, c, 512)(feats, caption_embed,
                                                   scale_arr)

    eye = jnp.eye(D, dtype=jnp.float32)
    zrow = jnp.zeros((ROWS_PER_SUB, D), jnp.float32)
    pooled_part, cnt_part = _make_segment_kernel(n_pad, m_pad)(
        scores, ctp_pad, cap_pad, eye, zrow)

    cnt_mat = _make_counts_kernel()(cnt_part)
    cnt_col = jnp.reshape(cnt_mat, (CROWS * D,))[:NCAP_PAD, None]
    pooled, counts = _make_finalize_kernel(2560)(pooled_part, cnt_col)
    return pooled[:NCAP], counts[:NCAP, 0]

# --- scband reference (transcript-rebuilt; emitter-appended) ---
"""Pipeline reference for scband-caption-head-15195594293897 (READ-ONLY COPY).

The authoritative reference and input builder live on the scoring server;
editing this copy changes nothing except your own understanding.
"""

import jax, jax.numpy as jnp
import numpy as np

V = 50000
N = 50000
D = 128
C = 128
NCAP = 10000
M = 160000

def setup_inputs(seed: int = 0) -> dict:
    key = jax.random.key(seed)
    k1, k2, k3, k4, k5 = jax.random.split(key, 5)
    adapter_feat = jax.random.normal(k1, (V, D), dtype=jnp.float32)
    ce = jax.random.normal(k2, (C, D), dtype=jnp.float32)
    caption_embed = ce / jnp.clip(jnp.linalg.norm(ce, axis=-1, keepdims=True), 1e-12)
    v2p_map = jax.random.randint(k3, (N,), 0, V)
    caption_to_point_mapping = jax.random.randint(k4, (M,), 0, N)
    caption_idx = jnp.sort(jax.random.randint(k5, (M,), 0, NCAP))
    logit_scale = jnp.asarray(np.log(1.0 / 0.07), dtype=jnp.float32)
    return {
        "adapter_feat": adapter_feat,
        "caption_embed": caption_embed,
        "logit_scale": logit_scale,
        "v2p_map": v2p_map,
        "caption_to_point_mapping": caption_to_point_mapping,
        "caption_idx": caption_idx,
    }

def reference(adapter_feat, caption_embed, logit_scale, v2p_map, caption_to_point_mapping, caption_idx):
    # adapter_feats = adapter_feat[v2p_map]
    feats = jnp.take(adapter_feat, v2p_map, axis=0)
    # feat_norm=True -> F.normalize(dim=-1)
    nrm = jnp.clip(jnp.linalg.norm(feats, axis=-1, keepdims=True), 1e-12)
    feats = feats / nrm
    # logit_learnable=True -> logit_scale.exp()
    scale = jnp.exp(logit_scale)
    caption_logits = feats @ caption_embed.T * scale
    caption_scores = jax.nn.log_softmax(caption_logits, axis=-1)
    # single batch b=0; origin_idx = arange(N) so point_to_origin_mapping is identity
    # and the invalid channel is identically zero.
    gathered = jnp.take(caption_scores, caption_to_point_mapping, axis=0)
    pooled = jax.ops.segment_sum(gathered, caption_idx, num_segments=NCAP)
    counts = jax.ops.segment_sum(jnp.ones((M,), dtype=jnp.float32), caption_idx, num_segments=NCAP)
    # denom = 1/real_n_points where >0 else 0
    safe = jnp.where(counts > 0, counts, 1.0)
    denom = jnp.where(counts > 0, 1.0 / safe, 0.0)
    pooled_scores = pooled * denom[:, None]
    real_n_points = counts
    return (pooled_scores, real_n_points)

if __name__ == "__main__":
    import jax
    _d = setup_inputs()
    print(jax.jit(kernel)(*tuple(_d.values())))

</pallas_src>

<mosaic_0001>
#map = affine_map<(d0, d1) -> (0, 0)>
#map1 = affine_map<(d0, d1) -> (0)>
module attributes {stable_mosaic.version = 14 : i64} {
  func.func @gather_rows(%arg0: i32, %arg1: i32, %arg2: memref<50000x128xf32, #tpu.memory_space<hbm>>, %arg3: memref<53248xi32, #tpu.memory_space<hbm>>, %arg4: memref<53248x128xf32, #tpu.memory_space<hbm>>, %arg5: memref<1x128xi32, #tpu.memory_space<vmem>>, %arg6: memref<128x128xf32, #tpu.memory_space<vmem>>, %arg7: memref<!tpu.dma_semaphore, #tpu.memory_space<semaphore_mem>>) attributes {dimension_semantics = [#tpu.dimension_semantics<core_parallel>, #tpu.dimension_semantics<subcore_parallel>], iteration_bounds = array<i64: 2, 16>, scalar_prefetch = 0 : i64, scratch_operands = 3 : i64, tpu.core_type = #tpu.core_type<sc_vector_subcore>, window_params = [{transform_indices = #map}, {transform_indices = #map1}, {transform_indices = #map}]} {
    %mul3A = arith.constant 2 : i32
    %mul3A_0 = arith.muli %arg1, %mul3A : i32
    %add3A = arith.addi %mul3A_0, %arg0 : i32
    %mul3A_1 = arith.constant 1664 : i32
    %mul3A_2 = arith.muli %add3A, %mul3A_1 : i32
    %scan3A = arith.constant 0 : i32
    %scan3A_3 = arith.constant 0 : i32
    %scan3A_4 = arith.constant 13 : i32
    %scan3A_5 = arith.addi %scan3A_3, %scan3A_4 : i32
    %scan3A_6 = arith.constant 1 : i32
    scf.for %scan3A_8 = %scan3A_3 to %scan3A_5 step %scan3A_6  : i32 {
      %mul3A_9 = arith.constant 128 : i32
      %mul3A_10 = arith.muli %scan3A_8, %mul3A_9 : i32
      %add3A_11 = arith.addi %mul3A_2, %mul3A_10 : i32
      %run_scoped3A = arith.constant 0 : i32
      "tpu.region"() ({
        %run_scoped3A_24 = tpu.sem_alloc : memref<!tpu.dma_semaphore, #tpu.memory_space<semaphore_mem>>
        %dma_start3A_25 = arith.constant 0 : i32
        %dma_start3A_26 = tpu.memref_slice %arg5[%run_scoped3A, %dma_start3A_25] : memref<1x128xi32, #tpu.memory_space<vmem>> -> memref<1x128xi32, #tpu.memory_space<vmem>>
        %dma_start3A_27 = tpu.memref_squeeze %dma_start3A_26 : memref<1x128xi32, #tpu.memory_space<vmem>> -> memref<128xi32, #tpu.memory_space<vmem>>
        %dma_start3A_28 = tpu.memref_slice %arg3[%add3A_11] : memref<53248xi32, #tpu.memory_space<hbm>> -> memref<128xi32, #tpu.memory_space<hbm>>
        %dma_start3A_29 = arith.constant 0 : i32
        %dma_start3A_30 = tpu.memref_slice %arg5[%run_scoped3A, %dma_start3A_29] : memref<1x128xi32, #tpu.memory_space<vmem>> -> memref<1x128xi32, #tpu.memory_space<vmem>>
        %dma_start3A_31 = tpu.memref_squeeze %dma_start3A_30 : memref<1x128xi32, #tpu.memory_space<vmem>> -> memref<128xi32, #tpu.memory_space<vmem>>
        %dma_start3A_32 = tpu.memref_slice %arg3[%add3A_11] : memref<53248xi32, #tpu.memory_space<hbm>> -> memref<128xi32, #tpu.memory_space<hbm>>
        tpu.enqueue_dma source(%dma_start3A_32 : memref<128xi32, #tpu.memory_space<hbm>>) target(%dma_start3A_31 : memref<128xi32, #tpu.memory_space<vmem>>) target_semaphore(%run_scoped3A_24 : memref<!tpu.dma_semaphore, #tpu.memory_space<semaphore_mem>>)
        %dma_wait3A_33 = arith.constant 0 : i32
        %dma_wait3A_34 = tpu.memref_slice %arg5[%run_scoped3A, %dma_wait3A_33] : memref<1x128xi32, #tpu.memory_space<vmem>> -> memref<1x128xi32, #tpu.memory_space<vmem>>
        %dma_wait3A_35 = tpu.memref_squeeze %dma_wait3A_34 : memref<1x128xi32, #tpu.memory_space<vmem>> -> memref<128xi32, #tpu.memory_space<vmem>>
        %dma_wait3A_36 = tpu.memref_slice %arg3[%add3A_11] : memref<53248xi32, #tpu.memory_space<hbm>> -> memref<128xi32, #tpu.memory_space<hbm>>
        %dma_wait3A_37 = arith.constant 0 : i32
        %dma_wait3A_38 = tpu.memref_slice %arg5[%run_scoped3A, %dma_wait3A_37] : memref<1x128xi32, #tpu.memory_space<vmem>> -> memref<1x128xi32, #tpu.memory_space<vmem>>
        %dma_wait3A_39 = tpu.memref_squeeze %dma_wait3A_38 : memref<1x128xi32, #tpu.memory_space<vmem>> -> memref<128xi32, #tpu.memory_space<vmem>>
        %dma_wait3A_40 = tpu.memref_slice %arg3[%add3A_11] : memref<53248xi32, #tpu.memory_space<hbm>> -> memref<128xi32, #tpu.memory_space<hbm>>
        tpu.wait_dma2 semaphore(%run_scoped3A_24 : memref<!tpu.dma_semaphore, #tpu.memory_space<semaphore_mem>>) src(%dma_wait3A_40 : memref<128xi32, #tpu.memory_space<hbm>>) dst(%dma_wait3A_39 : memref<128xi32, #tpu.memory_space<vmem>>)
        tpu.yield
      }) : () -> ()
      %dma_start3A = arith.constant 0 : i32
      %dma_start3A_12 = arith.constant 0 : i32
      %dma_start3A_13 = tpu.memref_slice %arg5[%dma_start3A, %dma_start3A_12] : memref<1x128xi32, #tpu.memory_space<vmem>> -> memref<1x128xi32, #tpu.memory_space<vmem>>
      %dma_start3A_14 = tpu.memref_squeeze %dma_start3A_13 : memref<1x128xi32, #tpu.memory_space<vmem>> -> memref<128xi32, #tpu.memory_space<vmem>>
      %dma_start3A_15 = arith.constant 0 : i32
      %dma_start3A_16 = arith.constant 0 : i32
      %dma_start3A_17 = tpu.memref_slice %arg2[%dma_start3A_15, %dma_start3A_16] : memref<50000x128xf32, #tpu.memory_space<hbm>> -> memref<50000x128xf32, #tpu.memory_space<hbm>>
      tpu.enqueue_indirect_dma source(%dma_start3A_17 : memref<50000x128xf32, #tpu.memory_space<hbm>>) target(%arg6 : memref<128x128xf32, #tpu.memory_space<vmem>>) offsets(%dma_start3A_14 : memref<128xi32, #tpu.memory_space<vmem>>) semaphore(%arg7 : memref<!tpu.dma_semaphore, #tpu.memory_space<semaphore_mem>>)
      %dma_wait3A = arith.constant 0 : i32
      %dma_wait3A_18 = arith.constant 0 : i32
      %dma_wait3A_19 = tpu.memref_slice %arg5[%dma_wait3A, %dma_wait3A_18] : memref<1x128xi32, #tpu.memory_space<vmem>> -> memref<1x128xi32, #tpu.memory_space<vmem>>
      %dma_wait3A_20 = tpu.memref_squeeze %dma_wait3A_19 : memref<1x128xi32, #tpu.memory_space<vmem>> -> memref<128xi32, #tpu.memory_space<vmem>>
      %dma_wait3A_21 = arith.constant 0 : i32
      %dma_wait3A_22 = arith.constant 0 : i32
      %dma_wait3A_23 = tpu.memref_slice %arg2[%dma_wait3A_21, %dma_wait3A_22] : memref<50000x128xf32, #tpu.memory_space<hbm>> -> memref<50000x128xf32, #tpu.memory_space<hbm>>
      tpu.wait_indirect_dma semaphore(%arg7 : memref<!tpu.dma_semaphore, #tpu.memory_space<semaphore_mem>>) src(%dma_wait3A_23 : memref<50000x128xf32, #tpu.memory_space<hbm>>) dst(%arg6 : memref<128x128xf32, #tpu.memory_space<vmem>>)
      "tpu.region"() ({
        %run_scoped3A_24 = tpu.sem_alloc : memref<!tpu.dma_semaphore, #tpu.memory_space<semaphore_mem>>
        %dma_start3A_25 = arith.constant 0 : i32
        %dma_start3A_26 = tpu.memref_slice %arg4[%add3A_11, %dma_start3A_25] : memref<53248x128xf32, #tpu.memory_space<hbm>> -> memref<128x128xf32, #tpu.memory_space<hbm>>
        %dma_start3A_27 = arith.constant 0 : i32
        %dma_start3A_28 = tpu.memref_slice %arg4[%add3A_11, %dma_start3A_27] : memref<53248x128xf32, #tpu.memory_space<hbm>> -> memref<128x128xf32, #tpu.memory_space<hbm>>
        tpu.enqueue_dma source(%arg6 : memref<128x128xf32, #tpu.memory_space<vmem>>) target(%dma_start3A_28 : memref<128x128xf32, #tpu.memory_space<hbm>>) target_semaphore(%run_scoped3A_24 : memref<!tpu.dma_semaphore, #tpu.memory_space<semaphore_mem>>)
        %dma_wait3A_29 = arith.constant 0 : i32
        %dma_wait3A_30 = tpu.memref_slice %arg4[%add3A_11, %dma_wait3A_29] : memref<53248x128xf32, #tpu.memory_space<hbm>> -> memref<128x128xf32, #tpu.memory_space<hbm>>
        %dma_wait3A_31 = arith.constant 0 : i32
        %dma_wait3A_32 = tpu.memref_slice %arg4[%add3A_11, %dma_wait3A_31] : memref<53248x128xf32, #tpu.memory_space<hbm>> -> memref<128x128xf32, #tpu.memory_space<hbm>>
        tpu.wait_dma2 semaphore(%run_scoped3A_24 : memref<!tpu.dma_semaphore, #tpu.memory_space<semaphore_mem>>) src(%arg6 : memref<128x128xf32, #tpu.memory_space<vmem>>) dst(%dma_wait3A_32 : memref<128x128xf32, #tpu.memory_space<hbm>>)
        tpu.yield
      }) : () -> ()
    }
    %scan3A_7 = arith.constant 13 : i32
    return
  }
}

#map = affine_map<(d0, d1) -> (0, 0)>
#map1 = affine_map<(d0, d1) -> (0)>
#map2 = affine_map<(d0, d1) -> (0, 0, 0)>
module attributes {stable_mosaic.version = 14 : i64} {
  func.func @segment_sum(%arg0: i32, %arg1: i32, %arg2: memref<53248x128xf32, #tpu.memory_space<hbm>>, %arg3: memref<163840xi32, #tpu.memory_space<hbm>>, %arg4: memref<163840xi32, #tpu.memory_space<hbm>>, %arg5: memref<128x128xf32, #tpu.memory_space<hbm>>, %arg6: memref<640x128xf32, #tpu.memory_space<hbm>>, %arg7: memref<2x10240x128xf32, #tpu.memory_space<hbm>>, %arg8: memref<2x128x128xf32, #tpu.memory_space<hbm>>, %arg9: memref<1x128xi32, #tpu.memory_space<vmem>>, %arg10: memref<1x128xi32, #tpu.memory_space<vmem>>, %arg11: memref<1x128xi32, #tpu.memory_space<vmem>>, %arg12: memref<1x128xi32, #tpu.memory_space<vmem>>, %arg13: memref<128x128xf32, #tpu.memory_space<vmem>>, %arg14: memref<128x128xf32, #tpu.memory_space<vmem>>, %arg15: memref<10240x128xf32, #tpu.memory_space<vmem_shared>>, %arg16: memref<128x128xf32, #tpu.memory_space<vmem_shared>>, %arg17: memref<!tpu.dma_semaphore, #tpu.memory_space<semaphore_mem>>) attributes {dimension_semantics = [#tpu.dimension_semantics<core_parallel>, #tpu.dimension_semantics<subcore_parallel>], iteration_bounds = array<i64: 2, 16>, scalar_prefetch = 0 : i64, scratch_operands = 9 : i64, tpu.core_type = #tpu.core_type<sc_vector_subcore>, window_params = [{transform_indices = #map}, {transform_indices = #map1}, {transform_indices = #map1}, {transform_indices = #map}, {transform_indices = #map}, {transform_indices = #map2}, {transform_indices = #map2}]} {
    %mul3A = arith.constant 2 : i32
    %mul3A_0 = arith.muli %arg1, %mul3A : i32
    %add3A = arith.addi %mul3A_0, %arg0 : i32
    %mul3A_1 = arith.constant 640 : i32
    %mul3A_2 = arith.muli %arg1, %mul3A_1 : i32
    %mul3A_3 = arith.constant 8 : i32
    %mul3A_4 = arith.muli %arg1, %mul3A_3 : i32
    "tpu.region"() ({
      %run_scoped3A = tpu.sem_alloc : memref<!tpu.dma_semaphore, #tpu.memory_space<semaphore_mem>>
      %dma_start3A = arith.constant 0 : i32
      %dma_start3A_13 = tpu.memref_slice %arg15[%mul3A_2, %dma_start3A] : memref<10240x128xf32, #tpu.memory_space<vmem_shared>> -> memref<640x128xf32, #tpu.memory_space<vmem_shared>>
      tpu.enqueue_dma source(%arg6 : memref<640x128xf32, #tpu.memory_space<hbm>>) target(%dma_start3A_13 : memref<640x128xf32, #tpu.memory_space<vmem_shared>>) target_semaphore(%run_scoped3A : memref<!tpu.dma_semaphore, #tpu.memory_space<semaphore_mem>>)
      %dma_wait3A = arith.constant 0 : i32
      %dma_wait3A_14 = tpu.memref_slice %arg15[%mul3A_2, %dma_wait3A] : memref<10240x128xf32, #tpu.memory_space<vmem_shared>> -> memref<640x128xf32, #tpu.memory_space<vmem_shared>>
      tpu.wait_dma2 semaphore(%run_scoped3A : memref<!tpu.dma_semaphore, #tpu.memory_space<semaphore_mem>>) src(%arg6 : memref<640x128xf32, #tpu.memory_space<hbm>>) dst(%dma_wait3A_14 : memref<640x128xf32, #tpu.memory_space<vmem_shared>>)
      tpu.yield
    }) : () -> ()
    "tpu.region"() ({
      %run_scoped3A = tpu.sem_alloc : memref<!tpu.dma_semaphore, #tpu.memory_space<semaphore_mem>>
      %dma_start3A = arith.constant 0 : i32
      %dma_start3A_13 = tpu.memref_slice %arg16[%mul3A_4, %dma_start3A] : memref<128x128xf32, #tpu.memory_space<vmem_shared>> -> memref<8x128xf32, #tpu.memory_space<vmem_shared>>
      %dma_start3A_14 = arith.constant 0 : i32
      %dma_start3A_15 = arith.constant 0 : i32
      %dma_start3A_16 = tpu.memref_slice %arg6[%dma_start3A_14, %dma_start3A_15] : memref<640x128xf32, #tpu.memory_space<hbm>> -> memref<8x128xf32, #tpu.memory_space<hbm>>
      tpu.enqueue_dma source(%dma_start3A_16 : memref<8x128xf32, #tpu.memory_space<hbm>>) target(%dma_start3A_13 : memref<8x128xf32, #tpu.memory_space<vmem_shared>>) target_semaphore(%run_scoped3A : memref<!tpu.dma_semaphore, #tpu.memory_space<semaphore_mem>>)
      %dma_wait3A = arith.constant 0 : i32
      %dma_wait3A_17 = tpu.memref_slice %arg16[%mul3A_4, %dma_wait3A] : memref<128x128xf32, #tpu.memory_space<vmem_shared>> -> memref<8x128xf32, #tpu.memory_space<vmem_shared>>
      %dma_wait3A_18 = arith.constant 0 : i32
      %dma_wait3A_19 = arith.constant 0 : i32
      %dma_wait3A_20 = tpu.memref_slice %arg6[%dma_wait3A_18, %dma_wait3A_19] : memref<640x128xf32, #tpu.memory_space<hbm>> -> memref<8x128xf32, #tpu.memory_space<hbm>>
      tpu.wait_dma2 semaphore(%run_scoped3A : memref<!tpu.dma_semaphore, #tpu.memory_space<semaphore_mem>>) src(%dma_wait3A_20 : memref<8x128xf32, #tpu.memory_space<hbm>>) dst(%dma_wait3A_17 : memref<8x128xf32, #tpu.memory_space<vmem_shared>>)
      tpu.yield
    }) : () -> ()
    %barrier3A = arith.constant 0 : index
    tpu.barrier barrier_id(%barrier3A)
    %mul3A_5 = arith.constant 5120 : i32
    %mul3A_6 = arith.muli %add3A, %mul3A_5 : i32
    %scan3A = arith.constant 0 : i32
    %scan3A_7 = arith.constant 0 : i32
    %scan3A_8 = arith.constant 40 : i32
    %scan3A_9 = arith.addi %scan3A_7, %scan3A_8 : i32
    %scan3A_10 = arith.constant 1 : i32
    scf.for %scan3A_13 = %scan3A_7 to %scan3A_9 step %scan3A_10  : i32 {
      %mul3A_14 = arith.constant 128 : i32
      %mul3A_15 = arith.muli %scan3A_13, %mul3A_14 : i32
      %add3A_16 = arith.addi %mul3A_6, %mul3A_15 : i32
      %run_scoped3A = arith.constant 0 : i32
      "tpu.region"() ({
        %run_scoped3A_226 = tpu.sem_alloc : memref<!tpu.dma_semaphore, #tpu.memory_space<semaphore_mem>>
        %dma_start3A_227 = arith.constant 0 : i32
        %dma_start3A_228 = tpu.memref_slice %arg9[%run_scoped3A, %dma_start3A_227] : memref<1x128xi32, #tpu.memory_space<vmem>> -> memref<1x128xi32, #tpu.memory_space<vmem>>
        %dma_start3A_229 = tpu.memref_squeeze %dma_start3A_228 : memref<1x128xi32, #tpu.memory_space<vmem>> -> memref<128xi32, #tpu.memory_space<vmem>>
        %dma_start3A_230 = tpu.memref_slice %arg3[%add3A_16] : memref<163840xi32, #tpu.memory_space<hbm>> -> memref<128xi32, #tpu.memory_space<hbm>>
        %dma_start3A_231 = arith.constant 0 : i32
        %dma_start3A_232 = tpu.memref_slice %arg9[%run_scoped3A, %dma_start3A_231] : memref<1x128xi32, #tpu.memory_space<vmem>> -> memref<1x128xi32, #tpu.memory_space<vmem>>
        %dma_start3A_233 = tpu.memref_squeeze %dma_start3A_232 : memref<1x128xi32, #tpu.memory_space<vmem>> -> memref<128xi32, #tpu.memory_space<vmem>>
        %dma_start3A_234 = tpu.memref_slice %arg3[%add3A_16] : memref<163840xi32, #tpu.memory_space<hbm>> -> memref<128xi32, #tpu.memory_space<hbm>>
        tpu.enqueue_dma source(%dma_start3A_234 : memref<128xi32, #tpu.memory_space<hbm>>) target(%dma_start3A_233 : memref<128xi32, #tpu.memory_space<vmem>>) target_semaphore(%run_scoped3A_226 : memref<!tpu.dma_semaphore, #tpu.memory_space<semaphore_mem>>)
        %dma_wait3A_235 = arith.constant 0 : i32
        %dma_wait3A_236 = tpu.memref_slice %arg9[%run_scoped3A, %dma_wait3A_235] : memref<1x128xi32, #tpu.memory_space<vmem>> -> memref<1x128xi32, #tpu.memory_space<vmem>>
        %dma_wait3A_237 = tpu.memref_squeeze %dma_wait3A_236 : memref<1x128xi32, #tpu.memory_space<vmem>> -> memref<128xi32, #tpu.memory_space<vmem>>
        %dma_wait3A_238 = tpu.memref_slice %arg3[%add3A_16] : memref<163840xi32, #tpu.memory_space<hbm>> -> memref<128xi32, #tpu.memory_space<hbm>>
        %dma_wait3A_239 = arith.constant 0 : i32
        %dma_wait3A_240 = tpu.memref_slice %arg9[%run_scoped3A, %dma_wait3A_239] : memref<1x128xi32, #tpu.memory_space<vmem>> -> memref<1x128xi32, #tpu.memory_space<vmem>>
        %dma_wait3A_241 = tpu.memref_squeeze %dma_wait3A_240 : memref<1x128xi32, #tpu.memory_space<vmem>> -> memref<128xi32, #tpu.memory_space<vmem>>
        %dma_wait3A_242 = tpu.memref_slice %arg3[%add3A_16] : memref<163840xi32, #tpu.memory_space<hbm>> -> memref<128xi32, #tpu.memory_space<hbm>>
        tpu.wait_dma2 semaphore(%run_scoped3A_226 : memref<!tpu.dma_semaphore, #tpu.memory_space<semaphore_mem>>) src(%dma_wait3A_242 : memref<128xi32, #tpu.memory_space<hbm>>) dst(%dma_wait3A_241 : memref<128xi32, #tpu.memory_space<vmem>>)
        tpu.yield
      }) : () -> ()
      %run_scoped3A_17 = arith.constant 0 : i32
      "tpu.region"() ({
        %run_scoped3A_226 = tpu.sem_alloc : memref<!tpu.dma_semaphore, #tpu.memory_space<semaphore_mem>>
        %dma_start3A_227 = arith.constant 0 : i32
        %dma_start3A_228 = tpu.memref_slice %arg10[%run_scoped3A_17, %dma_start3A_227] : memref<1x128xi32, #tpu.memory_space<vmem>> -> memref<1x128xi32, #tpu.memory_space<vmem>>
        %dma_start3A_229 = tpu.memref_squeeze %dma_start3A_228 : memref<1x128xi32, #tpu.memory_space<vmem>> -> memref<128xi32, #tpu.memory_space<vmem>>
        %dma_start3A_230 = tpu.memref_slice %arg4[%add3A_16] : memref<163840xi32, #tpu.memory_space<hbm>> -> memref<128xi32, #tpu.memory_space<hbm>>
        %dma_start3A_231 = arith.constant 0 : i32
        %dma_start3A_232 = tpu.memref_slice %arg10[%run_scoped3A_17, %dma_start3A_231] : memref<1x128xi32, #tpu.memory_space<vmem>> -> memref<1x128xi32, #tpu.memory_space<vmem>>
        %dma_start3A_233 = tpu.memref_squeeze %dma_start3A_232 : memref<1x128xi32, #tpu.memory_space<vmem>> -> memref<128xi32, #tpu.memory_space<vmem>>
        %dma_start3A_234 = tpu.memref_slice %arg4[%add3A_16] : memref<163840xi32, #tpu.memory_space<hbm>> -> memref<128xi32, #tpu.memory_space<hbm>>
        tpu.enqueue_dma source(%dma_start3A_234 : memref<128xi32, #tpu.memory_space<hbm>>) target(%dma_start3A_233 : memref<128xi32, #tpu.memory_space<vmem>>) target_semaphore(%run_scoped3A_226 : memref<!tpu.dma_semaphore, #tpu.memory_space<semaphore_mem>>)
        %dma_wait3A_235 = arith.constant 0 : i32
        %dma_wait3A_236 = tpu.memref_slice %arg10[%run_scoped3A_17, %dma_wait3A_235] : memref<1x128xi32, #tpu.memory_space<vmem>> -> memref<1x128xi32, #tpu.memory_space<vmem>>
        %dma_wait3A_237 = tpu.memref_squeeze %dma_wait3A_236 : memref<1x128xi32, #tpu.memory_space<vmem>> -> memref<128xi32, #tpu.memory_space<vmem>>
        %dma_wait3A_238 = tpu.memref_slice %arg4[%add3A_16] : memref<163840xi32, #tpu.memory_space<hbm>> -> memref<128xi32, #tpu.memory_space<hbm>>
        %dma_wait3A_239 = arith.constant 0 : i32
        %dma_wait3A_240 = tpu.memref_slice %arg10[%run_scoped3A_17, %dma_wait3A_239] : memref<1x128xi32, #tpu.memory_space<vmem>> -> memref<1x128xi32, #tpu.memory_space<vmem>>
        %dma_wait3A_241 = tpu.memref_squeeze %dma_wait3A_240 : memref<1x128xi32, #tpu.memory_space<vmem>> -> memref<128xi32, #tpu.memory_space<vmem>>
        %dma_wait3A_242 = tpu.memref_slice %arg4[%add3A_16] : memref<163840xi32, #tpu.memory_space<hbm>> -> memref<128xi32, #tpu.memory_space<hbm>>
        tpu.wait_dma2 semaphore(%run_scoped3A_226 : memref<!tpu.dma_semaphore, #tpu.memory_space<semaphore_mem>>) src(%dma_wait3A_242 : memref<128xi32, #tpu.memory_space<hbm>>) dst(%dma_wait3A_241 : memref<128xi32, #tpu.memory_space<vmem>>)
        tpu.yield
      }) : () -> ()
      %get3A = arith.constant 0 : i32
      %get3A_18 = arith.index_cast %get3A : i32 to index
      %get3A_19 = arith.constant 0 : index
      %get3A_20 = tpu.vector_load %arg10[%get3A_18, %get3A_19] {strides = array<i32>} : memref<1x128xi32, #tpu.memory_space<vmem>>, vector<1x16xi32>,
      %get3A_21 = vector.shape_cast %get3A_20 : vector<1x16xi32> to vector<16xi32>
      %and3A = arith.constant 127 : i32
      %and3A_22 = vector.broadcast %and3A : i32 to vector<16xi32>
      %and3A_23 = arith.andi %get3A_21, %and3A_22 : vector<16xi32>
      %swap3A = arith.constant 0 : i32
      %swap3A_24 = arith.index_cast %swap3A : i32 to index
      %swap3A_25 = arith.constant 0 : index
      %swap3A_26 = tpu.vector_load %arg11[%swap3A_24, %swap3A_25] {strides = array<i32>} : memref<1x128xi32, #tpu.memory_space<vmem>>, vector<1x16xi32>,
      %swap3A_27 = vector.shape_cast %swap3A_26 : vector<1x16xi32> to vector<16xi32>
      %swap3A_28 = vector.shape_cast %and3A_23 : vector<16xi32> to vector<1x16xi32>
      tpu.vector_store %arg11[%swap3A_24, %swap3A_25], %swap3A_28 {strides = array<i32>} : memref<1x128xi32, #tpu.memory_space<vmem>>, vector<1x16xi32>,
      %shift_right_logical3A = arith.constant 7 : i32
      %shift_right_logical3A_29 = vector.broadcast %shift_right_logical3A : i32 to vector<16xi32>
      %shift_right_logical3A_30 = arith.shrui %get3A_21, %shift_right_logical3A_29 : vector<16xi32>
      %swap3A_31 = arith.constant 0 : i32
      %swap3A_32 = arith.index_cast %swap3A_31 : i32 to index
      %swap3A_33 = arith.constant 0 : index
      %swap3A_34 = tpu.vector_load %arg12[%swap3A_32, %swap3A_33] {strides = array<i32>} : memref<1x128xi32, #tpu.memory_space<vmem>>, vector<1x16xi32>,
      %swap3A_35 = vector.shape_cast %swap3A_34 : vector<1x16xi32> to vector<16xi32>
      %swap3A_36 = vector.shape_cast %shift_right_logical3A_30 : vector<16xi32> to vector<1x16xi32>
      tpu.vector_store %arg12[%swap3A_32, %swap3A_33], %swap3A_36 {strides = array<i32>} : memref<1x128xi32, #tpu.memory_space<vmem>>, vector<1x16xi32>,
      %get3A_37 = arith.constant 0 : i32
      %get3A_38 = arith.index_cast %get3A_37 : i32 to index
      %get3A_39 = arith.constant 16 : index
      %get3A_40 = tpu.vector_load %arg10[%get3A_38, %get3A_39] {strides = array<i32>} : memref<1x128xi32, #tpu.memory_space<vmem>>, vector<1x16xi32>,
      %get3A_41 = vector.shape_cast %get3A_40 : vector<1x16xi32> to vector<16xi32>
      %and3A_42 = arith.constant 127 : i32
      %and3A_43 = vector.broadcast %and3A_42 : i32 to vector<16xi32>
      %and3A_44 = arith.andi %get3A_41, %and3A_43 : vector<16xi32>
      %swap3A_45 = arith.constant 0 : i32
      %swap3A_46 = arith.index_cast %swap3A_45 : i32 to index
      %swap3A_47 = arith.constant 16 : index
      %swap3A_48 = tpu.vector_load %arg11[%swap3A_46, %swap3A_47] {strides = array<i32>} : memref<1x128xi32, #tpu.memory_space<vmem>>, vector<1x16xi32>,
      %swap3A_49 = vector.shape_cast %swap3A_48 : vector<1x16xi32> to vector<16xi32>
      %swap3A_50 = vector.shape_cast %and3A_44 : vector<16xi32> to vector<1x16xi32>
      tpu.vector_store %arg11[%swap3A_46, %swap3A_47], %swap3A_50 {strides = array<i32>} : memref<1x128xi32, #tpu.memory_space<vmem>>, vector<1x16xi32>,
      %shift_right_logical3A_51 = arith.constant 7 : i32
      %shift_right_logical3A_52 = vector.broadcast %shift_right_logical3A_51 : i32 to vector<16xi32>
      %shift_right_logical3A_53 = arith.shrui %get3A_41, %shift_right_logical3A_52 : vector<16xi32>
      %swap3A_54 = arith.constant 0 : i32
      %swap3A_55 = arith.index_cast %swap3A_54 : i32 to index
      %swap3A_56 = arith.constant 16 : index
      %swap3A_57 = tpu.vector_load %arg12[%swap3A_55, %swap3A_56] {strides = array<i32>} : memref<1x128xi32, #tpu.memory_space<vmem>>, vector<1x16xi32>,
      %swap3A_58 = vector.shape_cast %swap3A_57 : vector<1x16xi32> to vector<16xi32>
      %swap3A_59 = vector.shape_cast %shift_right_logical3A_53 : vector<16xi32> to vector<1x16xi32>
      tpu.vector_store %arg12[%swap3A_55, %swap3A_56], %swap3A_59 {strides = array<i32>} : memref<1x128xi32, #tpu.memory_space<vmem>>, vector<1x16xi32>,
      %get3A_60 = arith.constant 0 : i32
      %get3A_61 = arith.index_cast %get3A_60 : i32 to index
      %get3A_62 = arith.constant 32 : index
      %get3A_63 = tpu.vector_load %arg10[%get3A_61, %get3A_62] {strides = array<i32>} : memref<1x128xi32, #tpu.memory_space<vmem>>, vector<1x16xi32>,
      %get3A_64 = vector.shape_cast %get3A_63 : vector<1x16xi32> to vector<16xi32>
      %and3A_65 = arith.constant 127 : i32
      %and3A_66 = vector.broadcast %and3A_65 : i32 to vector<16xi32>
      %and3A_67 = arith.andi %get3A_64, %and3A_66 : vector<16xi32>
      %swap3A_68 = arith.constant 0 : i32
      %swap3A_69 = arith.index_cast %swap3A_68 : i32 to index
      %swap3A_70 = arith.constant 32 : index
      %swap3A_71 = tpu.vector_load %arg11[%swap3A_69, %swap3A_70] {strides = array<i32>} : memref<1x128xi32, #tpu.memory_space<vmem>>, vector<1x16xi32>,
      %swap3A_72 = vector.shape_cast %swap3A_71 : vector<1x16xi32> to vector<16xi32>
      %swap3A_73 = vector.shape_cast %and3A_67 : vector<16xi32> to vector<1x16xi32>
      tpu.vector_store %arg11[%swap3A_69, %swap3A_70], %swap3A_73 {strides = array<i32>} : memref<1x128xi32, #tpu.memory_space<vmem>>, vector<1x16xi32>,
      %shift_right_logical3A_74 = arith.constant 7 : i32
      %shift_right_logical3A_75 = vector.broadcast %shift_right_logical3A_74 : i32 to vector<16xi32>
      %shift_right_logical3A_76 = arith.shrui %get3A_64, %shift_right_logical3A_75 : vector<16xi32>
      %swap3A_77 = arith.constant 0 : i32
      %swap3A_78 = arith.index_cast %swap3A_77 : i32 to index
      %swap3A_79 = arith.constant 32 : index
      %swap3A_80 = tpu.vector_load %arg12[%swap3A_78, %swap3A_79] {strides = array<i32>} : memref<1x128xi32, #tpu.memory_space<vmem>>, vector<1x16xi32>,
      %swap3A_81 = vector.shape_cast %swap3A_80 : vector<1x16xi32> to vector<16xi32>
      %swap3A_82 = vector.shape_cast %shift_right_logical3A_76 : vector<16xi32> to vector<1x16xi32>
      tpu.vector_store %arg12[%swap3A_78, %swap3A_79], %swap3A_82 {strides = array<i32>} : memref<1x128xi32, #tpu.memory_space<vmem>>, vector<1x16xi32>,
      %get3A_83 = arith.constant 0 : i32
      %get3A_84 = arith.index_cast %get3A_83 : i32 to index
      %get3A_85 = arith.constant 48 : index
      %get3A_86 = tpu.vector_load %arg10[%get3A_84, %get3A_85] {strides = array<i32>} : memref<1x128xi32, #tpu.memory_space<vmem>>, vector<1x16xi32>,
      %get3A_87 = vector.shape_cast %get3A_86 : vector<1x16xi32> to vector<16xi32>
      %and3A_88 = arith.constant 127 : i32
      %and3A_89 = vector.broadcast %and3A_88 : i32 to vector<16xi32>
      %and3A_90 = arith.andi %get3A_87, %and3A_89 : vector<16xi32>
      %swap3A_91 = arith.constant 0 : i32
      %swap3A_92 = arith.index_cast %swap3A_91 : i32 to index
      %swap3A_93 = arith.constant 48 : index
      %swap3A_94 = tpu.vector_load %arg11[%swap3A_92, %swap3A_93] {strides = array<i32>} : memref<1x128xi32, #tpu.memory_space<vmem>>, vector<1x16xi32>,
      %swap3A_95 = vector.shape_cast %swap3A_94 : vector<1x16xi32> to vector<16xi32>
      %swap3A_96 = vector.shape_cast %and3A_90 : vector<16xi32> to vector<1x16xi32>
      tpu.vector_store %arg11[%swap3A_92, %swap3A_93], %swap3A_96 {strides = array<i32>} : memref<1x128xi32, #tpu.memory_space<vmem>>, vector<1x16xi32>,
      %shift_right_logical3A_97 = arith.constant 7 : i32
      %shift_right_logical3A_98 = vector.broadcast %shift_right_logical3A_97 : i32 to vector<16xi32>
      %shift_right_logical3A_99 = arith.shrui %get3A_87, %shift_right_logical3A_98 : vector<16xi32>
      %swap3A_100 = arith.constant 0 : i32
      %swap3A_101 = arith.index_cast %swap3A_100 : i32 to index
      %swap3A_102 = arith.constant 48 : index
      %swap3A_103 = tpu.vector_load %arg12[%swap3A_101, %swap3A_102] {strides = array<i32>} : memref<1x128xi32, #tpu.memory_space<vmem>>, vector<1x16xi32>,
      %swap3A_104 = vector.shape_cast %swap3A_103 : vector<1x16xi32> to vector<16xi32>
      %swap3A_105 = vector.shape_cast %shift_right_logical3A_99 : vector<16xi32> to vector<1x16xi32>
      tpu.vector_store %arg12[%swap3A_101, %swap3A_102], %swap3A_105 {strides = array<i32>} : memref<1x128xi32, #tpu.memory_space<vmem>>, vector<1x16xi32>,
      %get3A_106 = arith.constant 0 : i32
      %get3A_107 = arith.index_cast %get3A_106 : i32 to index
      %get3A_108 = arith.constant 64 : index
      %get3A_109 = tpu.vector_load %arg10[%get3A_107, %get3A_108] {strides = array<i32>} : memref<1x128xi32, #tpu.memory_space<vmem>>, vector<1x16xi32>,
      %get3A_110 = vector.shape_cast %get3A_109 : vector<1x16xi32> to vector<16xi32>
      %and3A_111 = arith.constant 127 : i32
      %and3A_112 = vector.broadcast %and3A_111 : i32 to vector<16xi32>
      %and3A_113 = arith.andi %get3A_110, %and3A_112 : vector<16xi32>
      %swap3A_114 = arith.constant 0 : i32
      %swap3A_115 = arith.index_cast %swap3A_114 : i32 to index
      %swap3A_116 = arith.constant 64 : index
      %swap3A_117 = tpu.vector_load %arg11[%swap3A_115, %swap3A_116] {strides = array<i32>} : memref<1x128xi32, #tpu.memory_space<vmem>>, vector<1x16xi32>,
      %swap3A_118 = vector.shape_cast %swap3A_117 : vector<1x16xi32> to vector<16xi32>
      %swap3A_119 = vector.shape_cast %and3A_113 : vector<16xi32> to vector<1x16xi32>
      tpu.vector_store %arg11[%swap3A_115, %swap3A_116], %swap3A_119 {strides = array<i32>} : memref<1x128xi32, #tpu.memory_space<vmem>>, vector<1x16xi32>,
      %shift_right_logical3A_120 = arith.constant 7 : i32
      %shift_right_logical3A_121 = vector.broadcast %shift_right_logical3A_120 : i32 to vector<16xi32>
      %shift_right_logical3A_122 = arith.shrui %get3A_110, %shift_right_logical3A_121 : vector<16xi32>
      %swap3A_123 = arith.constant 0 : i32
      %swap3A_124 = arith.index_cast %swap3A_123 : i32 to index
      %swap3A_125 = arith.constant 64 : index
      %swap3A_126 = tpu.vector_load %arg12[%swap3A_124, %swap3A_125] {strides = array<i32>} : memref<1x128xi32, #tpu.memory_space<vmem>>, vector<1x16xi32>,
      %swap3A_127 = vector.shape_cast %swap3A_126 : vector<1x16xi32> to vector<16xi32>
      %swap3A_128 = vector.shape_cast %shift_right_logical3A_122 : vector<16xi32> to vector<1x16xi32>
      tpu.vector_store %arg12[%swap3A_124, %swap3A_125], %swap3A_128 {strides = array<i32>} : memref<1x128xi32, #tpu.memory_space<vmem>>, vector<1x16xi32>,
      %get3A_129 = arith.constant 0 : i32
      %get3A_130 = arith.index_cast %get3A_129 : i32 to index
      %get3A_131 = arith.constant 80 : index
      %get3A_132 = tpu.vector_load %arg10[%get3A_130, %get3A_131] {strides = array<i32>} : memref<1x128xi32, #tpu.memory_space<vmem>>, vector<1x16xi32>,
      %get3A_133 = vector.shape_cast %get3A_132 : vector<1x16xi32> to vector<16xi32>
      %and3A_134 = arith.constant 127 : i32
      %and3A_135 = vector.broadcast %and3A_134 : i32 to vector<16xi32>
      %and3A_136 = arith.andi %get3A_133, %and3A_135 : vector<16xi32>
      %swap3A_137 = arith.constant 0 : i32
      %swap3A_138 = arith.index_cast %swap3A_137 : i32 to index
      %swap3A_139 = arith.constant 80 : index
      %swap3A_140 = tpu.vector_load %arg11[%swap3A_138, %swap3A_139] {strides = array<i32>} : memref<1x128xi32, #tpu.memory_space<vmem>>, vector<1x16xi32>,
      %swap3A_141 = vector.shape_cast %swap3A_140 : vector<1x16xi32> to vector<16xi32>
      %swap3A_142 = vector.shape_cast %and3A_136 : vector<16xi32> to vector<1x16xi32>
      tpu.vector_store %arg11[%swap3A_138, %swap3A_139], %swap3A_142 {strides = array<i32>} : memref<1x128xi32, #tpu.memory_space<vmem>>, vector<1x16xi32>,
      %shift_right_logical3A_143 = arith.constant 7 : i32
      %shift_right_logical3A_144 = vector.broadcast %shift_right_logical3A_143 : i32 to vector<16xi32>
      %shift_right_logical3A_145 = arith.shrui %get3A_133, %shift_right_logical3A_144 : vector<16xi32>
      %swap3A_146 = arith.constant 0 : i32
      %swap3A_147 = arith.index_cast %swap3A_146 : i32 to index
      %swap3A_148 = arith.constant 80 : index
      %swap3A_149 = tpu.vector_load %arg12[%swap3A_147, %swap3A_148] {strides = array<i32>} : memref<1x128xi32, #tpu.memory_space<vmem>>, vector<1x16xi32>,
      %swap3A_150 = vector.shape_cast %swap3A_149 : vector<1x16xi32> to vector<16xi32>
      %swap3A_151 = vector.shape_cast %shift_right_logical3A_145 : vector<16xi32> to vector<1x16xi32>
      tpu.vector_store %arg12[%swap3A_147, %swap3A_148], %swap3A_151 {strides = array<i32>} : memref<1x128xi32, #tpu.memory_space<vmem>>, vector<1x16xi32>,
      %get3A_152 = arith.constant 0 : i32
      %get3A_153 = arith.index_cast %get3A_152 : i32 to index
      %get3A_154 = arith.constant 96 : index
      %get3A_155 = tpu.vector_load %arg10[%get3A_153, %get3A_154] {strides = array<i32>} : memref<1x128xi32, #tpu.memory_space<vmem>>, vector<1x16xi32>,
      %get3A_156 = vector.shape_cast %get3A_155 : vector<1x16xi32> to vector<16xi32>
      %and3A_157 = arith.constant 127 : i32
      %and3A_158 = vector.broadcast %and3A_157 : i32 to vector<16xi32>
      %and3A_159 = arith.andi %get3A_156, %and3A_158 : vector<16xi32>
      %swap3A_160 = arith.constant 0 : i32
      %swap3A_161 = arith.index_cast %swap3A_160 : i32 to index
      %swap3A_162 = arith.constant 96 : index
      %swap3A_163 = tpu.vector_load %arg11[%swap3A_161, %swap3A_162] {strides = array<i32>} : memref<1x128xi32, #tpu.memory_space<vmem>>, vector<1x16xi32>,
      %swap3A_164 = vector.shape_cast %swap3A_163 : vector<1x16xi32> to vector<16xi32>
      %swap3A_165 = vector.shape_cast %and3A_159 : vector<16xi32> to vector<1x16xi32>
      tpu.vector_store %arg11[%swap3A_161, %swap3A_162], %swap3A_165 {strides = array<i32>} : memref<1x128xi32, #tpu.memory_space<vmem>>, vector<1x16xi32>,
      %shift_right_logical3A_166 = arith.constant 7 : i32
      %shift_right_logical3A_167 = vector.broadcast %shift_right_logical3A_166 : i32 to vector<16xi32>
      %shift_right_logical3A_168 = arith.shrui %get3A_156, %shift_right_logical3A_167 : vector<16xi32>
      %swap3A_169 = arith.constant 0 : i32
      %swap3A_170 = arith.index_cast %swap3A_169 : i32 to index
      %swap3A_171 = arith.constant 96 : index
      %swap3A_172 = tpu.vector_load %arg12[%swap3A_170, %swap3A_171] {strides = array<i32>} : memref<1x128xi32, #tpu.memory_space<vmem>>, vector<1x16xi32>,
      %swap3A_173 = vector.shape_cast %swap3A_172 : vector<1x16xi32> to vector<16xi32>
      %swap3A_174 = vector.shape_cast %shift_right_logical3A_168 : vector<16xi32> to vector<1x16xi32>
      tpu.vector_store %arg12[%swap3A_170, %swap3A_171], %swap3A_174 {strides = array<i32>} : memref<1x128xi32, #tpu.memory_space<vmem>>, vector<1x16xi32>,
      %get3A_175 = arith.constant 0 : i32
      %get3A_176 = arith.index_cast %get3A_175 : i32 to index
      %get3A_177 = arith.constant 112 : index
      %get3A_178 = tpu.vector_load %arg10[%get3A_176, %get3A_177] {strides = array<i32>} : memref<1x128xi32, #tpu.memory_space<vmem>>, vector<1x16xi32>,
      %get3A_179 = vector.shape_cast %get3A_178 : vector<1x16xi32> to vector<16xi32>
      %and3A_180 = arith.constant 127 : i32
      %and3A_181 = vector.broadcast %and3A_180 : i32 to vector<16xi32>
      %and3A_182 = arith.andi %get3A_179, %and3A_181 : vector<16xi32>
      %swap3A_183 = arith.constant 0 : i32
      %swap3A_184 = arith.index_cast %swap3A_183 : i32 to index
      %swap3A_185 = arith.constant 112 : index
      %swap3A_186 = tpu.vector_load %arg11[%swap3A_184, %swap3A_185] {strides = array<i32>} : memref<1x128xi32, #tpu.memory_space<vmem>>, vector<1x16xi32>,
      %swap3A_187 = vector.shape_cast %swap3A_186 : vector<1x16xi32> to vector<16xi32>
      %swap3A_188 = vector.shape_cast %and3A_182 : vector<16xi32> to vector<1x16xi32>
      tpu.vector_store %arg11[%swap3A_184, %swap3A_185], %swap3A_188 {strides = array<i32>} : memref<1x128xi32, #tpu.memory_space<vmem>>, vector<1x16xi32>,
      %shift_right_logical3A_189 = arith.constant 7 : i32
      %shift_right_logical3A_190 = vector.broadcast %shift_right_logical3A_189 : i32 to vector<16xi32>
      %shift_right_logical3A_191 = arith.shrui %get3A_179, %shift_right_logical3A_190 : vector<16xi32>
      %swap3A_192 = arith.constant 0 : i32
      %swap3A_193 = arith.index_cast %swap3A_192 : i32 to index
      %swap3A_194 = arith.constant 112 : index
      %swap3A_195 = tpu.vector_load %arg12[%swap3A_193, %swap3A_194] {strides = array<i32>} : memref<1x128xi32, #tpu.memory_space<vmem>>, vector<1x16xi32>,
      %swap3A_196 = vector.shape_cast %swap3A_195 : vector<1x16xi32> to vector<16xi32>
      %swap3A_197 = vector.shape_cast %shift_right_logical3A_191 : vector<16xi32> to vector<1x16xi32>
      tpu.vector_store %arg12[%swap3A_193, %swap3A_194], %swap3A_197 {strides = array<i32>} : memref<1x128xi32, #tpu.memory_space<vmem>>, vector<1x16xi32>,
      %dma_start3A = arith.constant 0 : i32
      %dma_start3A_198 = arith.constant 0 : i32
      %dma_start3A_199 = tpu.memref_slice %arg9[%dma_start3A, %dma_start3A_198] : memref<1x128xi32, #tpu.memory_space<vmem>> -> memref<1x128xi32, #tpu.memory_space<vmem>>
      %dma_start3A_200 = tpu.memref_squeeze %dma_start3A_199 : memref<1x128xi32, #tpu.memory_space<vmem>> -> memref<128xi32, #tpu.memory_space<vmem>>
      %dma_start3A_201 = arith.constant 0 : i32
      %dma_start3A_202 = arith.constant 0 : i32
      %dma_start3A_203 = tpu.memref_slice %arg2[%dma_start3A_201, %dma_start3A_202] : memref<53248x128xf32, #tpu.memory_space<hbm>> -> memref<53248x128xf32, #tpu.memory_space<hbm>>
      tpu.enqueue_indirect_dma source(%dma_start3A_203 : memref<53248x128xf32, #tpu.memory_space<hbm>>) target(%arg13 : memref<128x128xf32, #tpu.memory_space<vmem>>) offsets(%dma_start3A_200 : memref<128xi32, #tpu.memory_space<vmem>>) semaphore(%arg17 : memref<!tpu.dma_semaphore, #tpu.memory_space<semaphore_mem>>)
      %dma_wait3A = arith.constant 0 : i32
      %dma_wait3A_204 = arith.constant 0 : i32
      %dma_wait3A_205 = tpu.memref_slice %arg9[%dma_wait3A, %dma_wait3A_204] : memref<1x128xi32, #tpu.memory_space<vmem>> -> memref<1x128xi32, #tpu.memory_space<vmem>>
      %dma_wait3A_206 = tpu.memref_squeeze %dma_wait3A_205 : memref<1x128xi32, #tpu.memory_space<vmem>> -> memref<128xi32, #tpu.memory_space<vmem>>
      %dma_wait3A_207 = arith.constant 0 : i32
      %dma_wait3A_208 = arith.constant 0 : i32
      %dma_wait3A_209 = tpu.memref_slice %arg2[%dma_wait3A_207, %dma_wait3A_208] : memref<53248x128xf32, #tpu.memory_space<hbm>> -> memref<53248x128xf32, #tpu.memory_space<hbm>>
      tpu.wait_indirect_dma semaphore(%arg17 : memref<!tpu.dma_semaphore, #tpu.memory_space<semaphore_mem>>) src(%dma_wait3A_209 : memref<53248x128xf32, #tpu.memory_space<hbm>>) dst(%arg13 : memref<128x128xf32, #tpu.memory_space<vmem>>)
      %dma_start3A_210 = arith.constant 0 : i32
      %dma_start3A_211 = arith.constant 0 : i32
      %dma_start3A_212 = tpu.memref_slice %arg11[%dma_start3A_210, %dma_start3A_211] : memref<1x128xi32, #tpu.memory_space<vmem>> -> memref<1x128xi32, #tpu.memory_space<vmem>>
      %dma_start3A_213 = tpu.memref_squeeze %dma_start3A_212 : memref<1x128xi32, #tpu.memory_space<vmem>> -> memref<128xi32, #tpu.memory_space<vmem>>
      %dma_start3A_214 = arith.constant 0 : i32
      %dma_start3A_215 = arith.constant 0 : i32
      %dma_start3A_216 = tpu.memref_slice %arg5[%dma_start3A_214, %dma_start3A_215] : memref<128x128xf32, #tpu.memory_space<hbm>> -> memref<128x128xf32, #tpu.memory_space<hbm>>
      tpu.enqueue_indirect_dma source(%dma_start3A_216 : memref<128x128xf32, #tpu.memory_space<hbm>>) target(%arg14 : memref<128x128xf32, #tpu.memory_space<vmem>>) offsets(%dma_start3A_213 : memref<128xi32, #tpu.memory_space<vmem>>) semaphore(%arg17 : memref<!tpu.dma_semaphore, #tpu.memory_space<semaphore_mem>>)
      %dma_wait3A_217 = arith.constant 0 : i32
      %dma_wait3A_218 = arith.constant 0 : i32
      %dma_wait3A_219 = tpu.memref_slice %arg11[%dma_wait3A_217, %dma_wait3A_218] : memref<1x128xi32, #tpu.memory_space<vmem>> -> memref<1x128xi32, #tpu.memory_space<vmem>>
      %dma_wait3A_220 = tpu.memref_squeeze %dma_wait3A_219 : memref<1x128xi32, #tpu.memory_space<vmem>> -> memref<128xi32, #tpu.memory_space<vmem>>
      %dma_wait3A_221 = arith.constant 0 : i32
      %dma_wait3A_222 = arith.constant 0 : i32
      %dma_wait3A_223 = tpu.memref_slice %arg5[%dma_wait3A_221, %dma_wait3A_222] : memref<128x128xf32, #tpu.memory_space<hbm>> -> memref<128x128xf32, #tpu.memory_space<hbm>>
      tpu.wait_indirect_dma semaphore(%arg17 : memref<!tpu.dma_semaphore, #tpu.memory_space<semaphore_mem>>) src(%dma_wait3A_223 : memref<128x128xf32, #tpu.memory_space<hbm>>) dst(%arg14 : memref<128x128xf32, #tpu.memory_space<vmem>>)
      %run_scoped3A_224 = arith.constant 0 : i32
      "tpu.region"() ({
        %run_scoped3A_226 = tpu.sem_alloc : memref<!tpu.dma_semaphore, #tpu.memory_space<semaphore_mem>>
        %dma_start3A_227 = arith.constant 0 : i32
        %dma_start3A_228 = tpu.memref_slice %arg10[%run_scoped3A_224, %dma_start3A_227] : memref<1x128xi32, #tpu.memory_space<vmem>> -> memref<1x128xi32, #tpu.memory_space<vmem>>
        %dma_start3A_229 = tpu.memref_squeeze %dma_start3A_228 : memref<1x128xi32, #tpu.memory_space<vmem>> -> memref<128xi32, #tpu.memory_space<vmem>>
        %dma_start3A_230 = arith.constant 0 : i32
        %dma_start3A_231 = arith.constant 0 : i32
        %dma_start3A_232 = tpu.memref_slice %arg15[%dma_start3A_230, %dma_start3A_231] : memref<10240x128xf32, #tpu.memory_space<vmem_shared>> -> memref<10240x128xf32, #tpu.memory_space<vmem_shared>>
        tpu.enqueue_indirect_dma source(%arg13 : memref<128x128xf32, #tpu.memory_space<vmem>>) target(%dma_start3A_232 : memref<10240x128xf32, #tpu.memory_space<vmem_shared>>) offsets(%dma_start3A_229 : memref<128xi32, #tpu.memory_space<vmem>>) semaphore(%run_scoped3A_226 : memref<!tpu.dma_semaphore, #tpu.memory_space<semaphore_mem>>) {add = true}
        %dma_wait3A_233 = arith.constant 0 : i32
        %dma_wait3A_234 = tpu.memref_slice %arg10[%run_scoped3A_224, %dma_wait3A_233] : memref<1x128xi32, #tpu.memory_space<vmem>> -> memref<1x128xi32, #tpu.memory_space<vmem>>
        %dma_wait3A_235 = tpu.memref_squeeze %dma_wait3A_234 : memref<1x128xi32, #tpu.memory_space<vmem>> -> memref<128xi32, #tpu.memory_space<vmem>>
        %dma_wait3A_236 = arith.constant 0 : i32
        %dma_wait3A_237 = arith.constant 0 : i32
        %dma_wait3A_238 = tpu.memref_slice %arg15[%dma_wait3A_236, %dma_wait3A_237] : memref<10240x128xf32, #tpu.memory_space<vmem_shared>> -> memref<10240x128xf32, #tpu.memory_space<vmem_shared>>
        tpu.wait_indirect_dma semaphore(%run_scoped3A_226 : memref<!tpu.dma_semaphore, #tpu.memory_space<semaphore_mem>>) src(%arg13 : memref<128x128xf32, #tpu.memory_space<vmem>>) dst(%dma_wait3A_238 : memref<10240x128xf32, #tpu.memory_space<vmem_shared>>)
        tpu.yield
      }) : () -> ()
      %run_scoped3A_225 = arith.constant 0 : i32
      "tpu.region"() ({
        %run_scoped3A_226 = tpu.sem_alloc : memref<!tpu.dma_semaphore, #tpu.memory_space<semaphore_mem>>
        %dma_start3A_227 = arith.constant 0 : i32
        %dma_start3A_228 = tpu.memref_slice %arg12[%run_scoped3A_225, %dma_start3A_227] : memref<1x128xi32, #tpu.memory_space<vmem>> -> memref<1x128xi32, #tpu.memory_space<vmem>>
        %dma_start3A_229 = tpu.memref_squeeze %dma_start3A_228 : memref<1x128xi32, #tpu.memory_space<vmem>> -> memref<128xi32, #tpu.memory_space<vmem>>
        %dma_start3A_230 = arith.constant 0 : i32
        %dma_start3A_231 = arith.constant 0 : i32
        %dma_start3A_232 = tpu.memref_slice %arg16[%dma_start3A_230, %dma_start3A_231] : memref<128x128xf32, #tpu.memory_space<vmem_shared>> -> memref<128x128xf32, #tpu.memory_space<vmem_shared>>
        tpu.enqueue_indirect_dma source(%arg14 : memref<128x128xf32, #tpu.memory_space<vmem>>) target(%dma_start3A_232 : memref<128x128xf32, #tpu.memory_space<vmem_shared>>) offsets(%dma_start3A_229 : memref<128xi32, #tpu.memory_space<vmem>>) semaphore(%run_scoped3A_226 : memref<!tpu.dma_semaphore, #tpu.memory_space<semaphore_mem>>) {add = true}
        %dma_wait3A_233 = arith.constant 0 : i32
        %dma_wait3A_234 = tpu.memref_slice %arg12[%run_scoped3A_225, %dma_wait3A_233] : memref<1x128xi32, #tpu.memory_space<vmem>> -> memref<1x128xi32, #tpu.memory_space<vmem>>
        %dma_wait3A_235 = tpu.memref_squeeze %dma_wait3A_234 : memref<1x128xi32, #tpu.memory_space<vmem>> -> memref<128xi32, #tpu.memory_space<vmem>>
        %dma_wait3A_236 = arith.constant 0 : i32
        %dma_wait3A_237 = arith.constant 0 : i32
        %dma_wait3A_238 = tpu.memref_slice %arg16[%dma_wait3A_236, %dma_wait3A_237] : memref<128x128xf32, #tpu.memory_space<vmem_shared>> -> memref<128x128xf32, #tpu.memory_space<vmem_shared>>
        tpu.wait_indirect_dma semaphore(%run_scoped3A_226 : memref<!tpu.dma_semaphore, #tpu.memory_space<semaphore_mem>>) src(%arg14 : memref<128x128xf32, #tpu.memory_space<vmem>>) dst(%dma_wait3A_238 : memref<128x128xf32, #tpu.memory_space<vmem_shared>>)
        tpu.yield
      }) : () -> ()
    }
    %scan3A_11 = arith.constant 40 : i32
    %barrier3A_12 = arith.constant 0 : index
    tpu.barrier barrier_id(%barrier3A_12)
    "tpu.region"() ({
      %run_scoped3A = tpu.sem_alloc : memref<!tpu.dma_semaphore, #tpu.memory_space<semaphore_mem>>
      %dma_start3A = arith.constant 0 : i32
      %dma_start3A_13 = tpu.memref_slice %arg7[%arg0, %mul3A_2, %dma_start3A] : memref<2x10240x128xf32, #tpu.memory_space<hbm>> -> memref<1x640x128xf32, #tpu.memory_space<hbm>>
      %dma_start3A_14 = tpu.memref_squeeze %dma_start3A_13 : memref<1x640x128xf32, #tpu.memory_space<hbm>> -> memref<640x128xf32, #tpu.memory_space<hbm>>
      %dma_start3A_15 = arith.constant 0 : i32
      %dma_start3A_16 = tpu.memref_slice %arg15[%mul3A_2, %dma_start3A_15] : memref<10240x128xf32, #tpu.memory_space<vmem_shared>> -> memref<640x128xf32, #tpu.memory_space<vmem_shared>>
      tpu.enqueue_dma source(%dma_start3A_16 : memref<640x128xf32, #tpu.memory_space<vmem_shared>>) target(%dma_start3A_14 : memref<640x128xf32, #tpu.memory_space<hbm>>) target_semaphore(%run_scoped3A : memref<!tpu.dma_semaphore, #tpu.memory_space<semaphore_mem>>)
      %dma_wait3A = arith.constant 0 : i32
      %dma_wait3A_17 = tpu.memref_slice %arg7[%arg0, %mul3A_2, %dma_wait3A] : memref<2x10240x128xf32, #tpu.memory_space<hbm>> -> memref<1x640x128xf32, #tpu.memory_space<hbm>>
      %dma_wait3A_18 = tpu.memref_squeeze %dma_wait3A_17 : memref<1x640x128xf32, #tpu.memory_space<hbm>> -> memref<640x128xf32, #tpu.memory_space<hbm>>
      %dma_wait3A_19 = arith.constant 0 : i32
      %dma_wait3A_20 = tpu.memref_slice %arg15[%mul3A_2, %dma_wait3A_19] : memref<10240x128xf32, #tpu.memory_space<vmem_shared>> -> memref<640x128xf32, #tpu.memory_space<vmem_shared>>
      tpu.wait_dma2 semaphore(%run_scoped3A : memref<!tpu.dma_semaphore, #tpu.memory_space<semaphore_mem>>) src(%dma_wait3A_20 : memref<640x128xf32, #tpu.memory_space<vmem_shared>>) dst(%dma_wait3A_18 : memref<640x128xf32, #tpu.memory_space<hbm>>)
      tpu.yield
    }) : () -> ()
    "tpu.region"() ({
      %run_scoped3A = tpu.sem_alloc : memref<!tpu.dma_semaphore, #tpu.memory_space<semaphore_mem>>
      %dma_start3A = arith.constant 0 : i32
      %dma_start3A_13 = tpu.memref_slice %arg8[%arg0, %mul3A_4, %dma_start3A] : memref<2x128x128xf32, #tpu.memory_space<hbm>> -> memref<1x8x128xf32, #tpu.memory_space<hbm>>
      %dma_start3A_14 = tpu.memref_squeeze %dma_start3A_13 : memref<1x8x128xf32, #tpu.memory_space<hbm>> -> memref<8x128xf32, #tpu.memory_space<hbm>>
      %dma_start3A_15 = arith.constant 0 : i32
      %dma_start3A_16 = tpu.memref_slice %arg16[%mul3A_4, %dma_start3A_15] : memref<128x128xf32, #tpu.memory_space<vmem_shared>> -> memref<8x128xf32, #tpu.memory_space<vmem_shared>>
      tpu.enqueue_dma source(%dma_start3A_16 : memref<8x128xf32, #tpu.memory_space<vmem_shared>>) target(%dma_start3A_14 : memref<8x128xf32, #tpu.memory_space<hbm>>) target_semaphore(%run_scoped3A : memref<!tpu.dma_semaphore, #tpu.memory_space<semaphore_mem>>)
      %dma_wait3A = arith.constant 0 : i32
      %dma_wait3A_17 = tpu.memref_slice %arg8[%arg0, %mul3A_4, %dma_wait3A] : memref<2x128x128xf32, #tpu.memory_space<hbm>> -> memref<1x8x128xf32, #tpu.memory_space<hbm>>
      %dma_wait3A_18 = tpu.memref_squeeze %dma_wait3A_17 : memref<1x8x128xf32, #tpu.memory_space<hbm>> -> memref<8x128xf32, #tpu.memory_space<hbm>>
      %dma_wait3A_19 = arith.constant 0 : i32
      %dma_wait3A_20 = tpu.memref_slice %arg16[%mul3A_4, %dma_wait3A_19] : memref<128x128xf32, #tpu.memory_space<vmem_shared>> -> memref<8x128xf32, #tpu.memory_space<vmem_shared>>
      tpu.wait_dma2 semaphore(%run_scoped3A : memref<!tpu.dma_semaphore, #tpu.memory_space<semaphore_mem>>) src(%dma_wait3A_20 : memref<8x128xf32, #tpu.memory_space<vmem_shared>>) dst(%dma_wait3A_18 : memref<8x128xf32, #tpu.memory_space<hbm>>)
      tpu.yield
    }) : () -> ()
    return
  }
}

module attributes {stable_mosaic.version = 14 : i64} {
  func.func @body(%arg0: i32, %arg1: memref<512x128xf32, #tpu.memory_space<vmem>>, %arg2: memref<128x128xf32, #tpu.memory_space<vmem>>, %arg3: memref<1xf32, #tpu.memory_space<smem>>, %arg4: memref<512x128xf32, #tpu.memory_space<vmem>>) attributes {dimension_semantics = [#tpu.dimension_semantics<arbitrary>], iteration_bounds = array<i64: 104>, scalar_prefetch = 0 : i64, scratch_operands = 0 : i64, tpu.core_type = #tpu.core_type<tc>, window_params = [{transform_indices = @transform_0, window_bounds = array<i64: 512, 128>}, {pipeline_mode = #tpu.pipeline_mode<synchronous>, transform_indices = @transform_1, window_bounds = array<i64: 128, 128>}, {transform_indices = @transform_2, window_bounds = array<i64: 1>}, {transform_indices = @transform_3, window_bounds = array<i64: 512, 128>}]} {
    %get3A = arith.constant 0 : index
    %get3A_0 = arith.constant 0 : index
    %get3A_1 = vector.load %arg1[%get3A, %get3A_0] : memref<512x128xf32, #tpu.memory_space<vmem>>, vector<512x128xf32>
    %mul3A = arith.mulf %get3A_1, %get3A_1 : vector<512x128xf32>
    %reduce_sum3A = arith.constant dense<0.000000e+00> : vector<512xf32>
    %reduce_sum3A_2 = vector.multi_reduction <add>, %mul3A, %reduce_sum3A [1] : vector<512x128xf32> to vector<512xf32>
    %broadcast_in_dim3A = vector.shape_cast %reduce_sum3A_2 : vector<512xf32> to vector<512x1xf32>
    %sqrt3A = math.sqrt %broadcast_in_dim3A : vector<512x1xf32>
    %max3A = arith.constant 9.99999996E-13 : f32
    %max3A_3 = vector.broadcast %max3A : f32 to vector<512x1xf32>
    %max3A_4 = arith.maximumf %sqrt3A, %max3A_3 : vector<512x1xf32>
    %div3A = vector.broadcast %max3A_4 : vector<512x1xf32> to vector<512x128xf32>
    %div3A_5 = arith.divf %get3A_1, %div3A : vector<512x128xf32>
    %get3A_6 = arith.constant 0 : index
    %get3A_7 = memref.load %arg3[%get3A_6] : memref<1xf32, #tpu.memory_space<smem>>
    %exp3A = math.exp %get3A_7 : f32
    %get3A_8 = arith.constant 0 : index
    %get3A_9 = arith.constant 0 : index
    %get3A_10 = vector.load %arg2[%get3A_8, %get3A_9] : memref<128x128xf32, #tpu.memory_space<vmem>>, vector<128x128xf32>
    %dot_general3A = arith.constant dense<0.000000e+00> : vector<512x128xf32>
    %dot_general3A_11 = tpu.matmul %div3A_5, %get3A_10, %dot_general3A {dimension_numbers = #tpu.dot_dimension_numbers<[1], [1], [0], [0], [0, 0, 1, 0], [], []>, transpose_lhs_hint = false} : vector<512x128xf32>, vector<128x128xf32>, vector<512x128xf32> -> vector<512x128xf32>
    %mul3A_12 = vector.broadcast %exp3A : f32 to vector<512x128xf32>
    %mul3A_13 = arith.mulf %dot_general3A_11, %mul3A_12 : vector<512x128xf32>
    %reduce_max3A = arith.constant dense<0xFF800000> : vector<512xf32>
    %reduce_max3A_14 = vector.multi_reduction <maximumf>, %mul3A_13, %reduce_max3A [1] : vector<512x128xf32> to vector<512xf32>
    %broadcast_in_dim3A_15 = vector.shape_cast %reduce_max3A_14 : vector<512xf32> to vector<512x1xf32>
    %sub3A = vector.broadcast %broadcast_in_dim3A_15 : vector<512x1xf32> to vector<512x128xf32>
    %sub3A_16 = arith.subf %mul3A_13, %sub3A : vector<512x128xf32>
    %exp3A_17 = math.exp %sub3A_16 : vector<512x128xf32>
    %reduce_sum3A_18 = arith.constant dense<0.000000e+00> : vector<512xf32>
    %reduce_sum3A_19 = vector.multi_reduction <add>, %exp3A_17, %reduce_sum3A_18 [1] : vector<512x128xf32> to vector<512xf32>
    %broadcast_in_dim3A_20 = vector.shape_cast %reduce_sum3A_19 : vector<512xf32> to vector<512x1xf32>
    %log3A = math.log %broadcast_in_dim3A_20 : vector<512x1xf32>
    %add3A = arith.addf %log3A, %broadcast_in_dim3A_15 : vector<512x1xf32>
    %sub3A_21 = vector.broadcast %add3A : vector<512x1xf32> to vector<512x128xf32>
    %sub3A_22 = arith.subf %mul3A_13, %sub3A_21 : vector<512x128xf32>
    %swap3A = arith.constant 0 : index
    %swap3A_23 = arith.constant 0 : index
    %swap3A_24 = vector.load %arg4[%swap3A, %swap3A_23] : memref<512x128xf32, #tpu.memory_space<vmem>>, vector<512x128xf32>
    tpu.vector_store %arg4[%swap3A, %swap3A_23], %sub3A_22 {strides = array<i32>} : memref<512x128xf32, #tpu.memory_space<vmem>>, vector<512x128xf32>,
    return
  }
  func.func @transform_0(%arg0: i32) -> (i32, i32) {
    %c0_i32 = arith.constant 0 : i32
    %c0_i32_0 = arith.constant 0 : i32
    return %arg0, %c0_i32 : i32, i32
  }
  func.func @transform_1(%arg0: i32) -> (i32, i32) {
    %c0_i32 = arith.constant 0 : i32
    %c0_i32_0 = arith.constant 0 : i32
    %c0_i32_1 = arith.constant 0 : i32
    return %c0_i32, %c0_i32_0 : i32, i32
  }
  func.func @transform_2(%arg0: i32) -> i32 {
    %c0_i32 = arith.constant 0 : i32
    %c0_i32_0 = arith.constant 0 : i32
    return %c0_i32 : i32
  }
  func.func @transform_3(%arg0: i32) -> (i32, i32) {
    %c0_i32 = arith.constant 0 : i32
    %c0_i32_0 = arith.constant 0 : i32
    return %arg0, %c0_i32 : i32, i32
  }
}

module attributes {stable_mosaic.version = 14 : i64} {
  func.func @body(%arg0: memref<2x128x128xf32, #tpu.memory_space<vmem>>, %arg1: memref<128x128xf32, #tpu.memory_space<vmem>>) attributes {dimension_semantics = [], scalar_prefetch = 0 : i64, scratch_operands = 0 : i64, tpu.core_type = #tpu.core_type<tc>} {
    %get3A = arith.constant 0 : index
    %get3A_0 = arith.constant 0 : index
    %get3A_1 = arith.constant 0 : index
    %get3A_2 = vector.load %arg0[%get3A, %get3A_0, %get3A_1] : memref<2x128x128xf32, #tpu.memory_space<vmem>>, vector<1x128x128xf32>
    %get3A_3 = vector.shape_cast %get3A_2 : vector<1x128x128xf32> to vector<128x128xf32>
    %get3A_4 = arith.constant 1 : index
    %get3A_5 = arith.constant 0 : index
    %get3A_6 = arith.constant 0 : index
    %get3A_7 = vector.load %arg0[%get3A_4, %get3A_5, %get3A_6] : memref<2x128x128xf32, #tpu.memory_space<vmem>>, vector<1x128x128xf32>
    %get3A_8 = vector.shape_cast %get3A_7 : vector<1x128x128xf32> to vector<128x128xf32>
    %add3A = arith.addf %get3A_3, %get3A_8 : vector<128x128xf32>
    %swap3A = arith.constant 0 : index
    %swap3A_9 = arith.constant 0 : index
    %swap3A_10 = vector.load %arg1[%swap3A, %swap3A_9] : memref<128x128xf32, #tpu.memory_space<vmem>>, vector<128x128xf32>
    tpu.vector_store %arg1[%swap3A, %swap3A_9], %add3A {strides = array<i32>} : memref<128x128xf32, #tpu.memory_space<vmem>>, vector<128x128xf32>,
    return
  }
}

module attributes {stable_mosaic.version = 14 : i64} {
  func.func @body(%arg0: i32, %arg1: memref<2x2560x128xf32, #tpu.memory_space<vmem>>, %arg2: memref<2560x1xf32, #tpu.memory_space<vmem>>, %arg3: memref<2560x128xf32, #tpu.memory_space<vmem>>, %arg4: memref<2560x1xf32, #tpu.memory_space<vmem>>) attributes {dimension_semantics = [#tpu.dimension_semantics<arbitrary>], iteration_bounds = array<i64: 4>, scalar_prefetch = 0 : i64, scratch_operands = 0 : i64, tpu.core_type = #tpu.core_type<tc>, window_params = [{transform_indices = @transform_0, window_bounds = array<i64: 2, 2560, 128>}, {transform_indices = @transform_1, window_bounds = array<i64: 2560, 1>}, {transform_indices = @transform_2, window_bounds = array<i64: 2560, 128>}, {transform_indices = @transform_3, window_bounds = array<i64: 2560, 1>}]} {
    %get3A = arith.constant 0 : index
    %get3A_0 = arith.constant 0 : index
    %get3A_1 = arith.constant 0 : index
    %get3A_2 = vector.load %arg1[%get3A, %get3A_0, %get3A_1] : memref<2x2560x128xf32, #tpu.memory_space<vmem>>, vector<1x2560x128xf32>
    %get3A_3 = vector.shape_cast %get3A_2 : vector<1x2560x128xf32> to vector<2560x128xf32>
    %get3A_4 = arith.constant 1 : index
    %get3A_5 = arith.constant 0 : index
    %get3A_6 = arith.constant 0 : index
    %get3A_7 = vector.load %arg1[%get3A_4, %get3A_5, %get3A_6] : memref<2x2560x128xf32, #tpu.memory_space<vmem>>, vector<1x2560x128xf32>
    %get3A_8 = vector.shape_cast %get3A_7 : vector<1x2560x128xf32> to vector<2560x128xf32>
    %add3A = arith.addf %get3A_3, %get3A_8 : vector<2560x128xf32>
    %get3A_9 = arith.constant 0 : index
    %get3A_10 = arith.constant 0 : index
    %get3A_11 = vector.load %arg2[%get3A_9, %get3A_10] : memref<2560x1xf32, #tpu.memory_space<vmem>>, vector<2560x1xf32>
    %swap3A = arith.constant 0 : index
    %swap3A_12 = arith.constant 0 : index
    %swap3A_13 = vector.load %arg4[%swap3A, %swap3A_12] : memref<2560x1xf32, #tpu.memory_space<vmem>>, vector<2560x1xf32>
    tpu.vector_store %arg4[%swap3A, %swap3A_12], %get3A_11 {strides = array<i32>} : memref<2560x1xf32, #tpu.memory_space<vmem>>, vector<2560x1xf32>,
    %gt3A = arith.constant 0.000000e+00 : f32
    %gt3A_14 = vector.broadcast %gt3A : f32 to vector<2560x1xf32>
    %gt3A_15 = arith.cmpf ogt, %get3A_11, %gt3A_14 : vector<2560x1xf32>
    %jit3A = arith.constant 1.000000e+00 : f32
    %broadcast_in_dim3A = vector.broadcast %jit3A : f32 to vector<2560x1xf32>
    %select_n3A = arith.select %gt3A_15, %get3A_11, %broadcast_in_dim3A : vector<2560x1xi1>, vector<2560x1xf32>
    %gt3A_16 = arith.constant 0.000000e+00 : f32
    %gt3A_17 = vector.broadcast %gt3A_16 : f32 to vector<2560x1xf32>
    %gt3A_18 = arith.cmpf ogt, %get3A_11, %gt3A_17 : vector<2560x1xf32>
    %div3A = arith.constant 1.000000e+00 : f32
    %div3A_19 = vector.broadcast %div3A : f32 to vector<2560x1xf32>
    %div3A_20 = arith.divf %div3A_19, %select_n3A : vector<2560x1xf32>
    %jit3A_21 = arith.constant 0.000000e+00 : f32
    %broadcast_in_dim3A_22 = vector.broadcast %jit3A_21 : f32 to vector<2560x1xf32>
    %select_n3A_23 = arith.select %gt3A_18, %div3A_20, %broadcast_in_dim3A_22 : vector<2560x1xi1>, vector<2560x1xf32>
    %mul3A = vector.broadcast %select_n3A_23 : vector<2560x1xf32> to vector<2560x128xf32>
    %mul3A_24 = arith.mulf %add3A, %mul3A : vector<2560x128xf32>
    %swap3A_25 = arith.constant 0 : index
    %swap3A_26 = arith.constant 0 : index
    %swap3A_27 = vector.load %arg3[%swap3A_25, %swap3A_26] : memref<2560x128xf32, #tpu.memory_space<vmem>>, vector<2560x128xf32>
    tpu.vector_store %arg3[%swap3A_25, %swap3A_26], %mul3A_24 {strides = array<i32>} : memref<2560x128xf32, #tpu.memory_space<vmem>>, vector<2560x128xf32>,
    return
  }
  func.func @transform_0(%arg0: i32) -> (i32, i32, i32) {
    %c0_i32 = arith.constant 0 : i32
    %c0_i32_0 = arith.constant 0 : i32
    %c0_i32_1 = arith.constant 0 : i32
    return %c0_i32, %arg0, %c0_i32_0 : i32, i32, i32
  }
  func.func @transform_1(%arg0: i32) -> (i32, i32) {
    %c0_i32 = arith.constant 0 : i32
    %c0_i32_0 = arith.constant 0 : i32
    return %arg0, %c0_i32 : i32, i32
  }
  func.func @transform_2(%arg0: i32) -> (i32, i32) {
    %c0_i32 = arith.constant 0 : i32
    %c0_i32_0 = arith.constant 0 : i32
    return %arg0, %c0_i32 : i32, i32
  }
  func.func @transform_3(%arg0: i32) -> (i32, i32) {
    %c0_i32 = arith.constant 0 : i32
    %c0_i32_0 = arith.constant 0 : i32
    return %arg0, %c0_i32 : i32, i32
  }
}

</mosaic_0001>

<sc_bundles>
// kernel: kernel.10.cloned.1.call-start
scs
__scs_entry_jumppad:
0x0: {  	(pc) =	sbr.rel $0x88, $3  }
0x1: {  	(tag) =	ssettag $0x0;
	lr =	simm.s32 $0x1  }
0x2: {  	[smem:$0x3F9B] =	sst lr;
	_ =	strace $0xD0000000  }
0x3: {  	_ = 	snop  }
0x4: {  	_ = 	snop  }
0x5: {  	_ = 	snop  }
0x6: {  	_ = 	snop  }
0x7: {  	_ = 	snop  }
__scs_overlays_trampoline_lowered:
0x8: {  	[smem:$0x3FAA] =	sst s0  }
0x9: {  	[smem:$0x3FAB] =	sst s1  }
0xa: {  	[smem:$0x3FAC] =	sst s2  }
0xb: {  	[smem:$0x3FAD] =	sst s3  }
0xc: {  	[smem:$0x3FAE] =	sst s4  }
0xd: {  	[smem:$0x3FAF] =	sst s5  }
0xe: {  	[smem:$0x3FB0] =	sst s6  }
0xf: {  	[smem:$0x3FB1] =	sst s7  }
0x10: {  	[smem:$0x3FB2] =	sst s8  }
0x11: {  	[smem:$0x3FB3] =	sst s9;
	s0 =	simm.s32 @!p0 $0x0  }
0x12: {  	s1 =	sld [smem:$0x3F99];
	s0 =	simm.s32 @p0 $0x1  }
0x13: {  	[smem:$0x3FB4] =	sst s0;
	s0 =	simm.s32 @!p1 $0x0  }
0x14: {  	s2 =	sld [smem:$0x3F98];
	s0 =	simm.s32 @p1 $0x1  }
0x15: {  	[smem:$0x3FB5] =	sst s0;
	s0 =	simm.s32 @!p2 $0x0  }
0x16: {  	s3 =	sld [smem:$0x3FDB];
	s0 =	simm.s32 @p2 $0x1  }
0x17: {  	s4 =	simm.s32 $0x1BF5;
	[smem:$0x3FB7] =	sst s0  }
0x18: {  	s0 =	sld [smem:$0x3F9A];
	_ =	swait.ge [sflag:s4], $0x0  }
0x19: {  	s7 =	sld [smem:$0x3F9B]  }
0x1a: {  	s8 =	sadd.s32 $0xFFFFE003, lr  }
0x1b: {  	s9 =	sadd.s32 $0xFFFFFEF7, lr;
	s5 =	simm.s32 $0xFFFFFFFF;
	p2 =	slt.u32 s8, $0xFFFFF086  }
0x1c: {  	p1 =	slt.u32 s9, $0xF7A;
	s5 =	simm.s32 @!p2 $0x0  }
0x1d: {  	s5 =	simm.s32 @p1 $0x1;
	p0 =	seq.s32 s7, s2  }
0x1e: {  	s7 =	smul.u32 @!p0 $0xF7A, s2;
	p2 =	seq.s32 @!p0 s5, $0x0  }
0x1f: {  	s9 =	smul.u32 $0xF7A, s1;
	s8 =	simm.s32 @!p0 $0x1BF5;
	p2 =	por !p2, p0  }
0x20: {  	[sflag:s8] =	ssyncset.s32 @!p0 $0xFFFFF086;
	s6 =	sadd.s32 @!p0 s3, s7;
	s7 =	simm.s32 @!p0 $0x108  }
0x21: {  	s3 =	sadd.s32 s3, s9;
	s6 =	sadd.s32 @!p0 $0x88, s6;
	s7 =	simm.s32 @p2 $0x1082  }
0x22: {  	[simem:s7], [sflag:s8] =	dma.local @!p0 [hbm:s6], $0xF7A  }
0x23: {  	s9 =	sor.u32 $0xD0000000, s2;
	s6 =	simm.s32 $0x108;
	_ =	swait.ge @!p0 [sflag:s8], $0x0  }
0x24: {  	s3 =	sadd.s32 $0x88, s3;
	s6 =	simm.s32 @!p1 $0x1082;
	[sflag:s4] =	ssyncset.s32 $0xFFFFF086  }
0x25: {  	[simem:s6], [sflag:s4] =	dma.local [hbm:s3], $0xF7A  }
0x26: {  	[smem:$0x3F9B] =	sst s1;
	(tag) =	ssettag s2;
	_ =	strace s9  }
0x27: {  	s1 =	sld [smem:$0x3FAB]  }
0x28: {  	s2 =	sld [smem:$0x3FAC]  }
0x29: {  	s4 =	sld [smem:$0x3FAE]  }
0x2a: {  	p0 =	seq.s32 s5, $0x0;
	s5 =	sld [smem:$0x3FAF]  }
0x2b: {  	s6 =	sld [smem:$0x3FB0]  }
0x2c: {  	s7 =	sld [smem:$0x3FB1]  }
0x2d: {  	s3 =	simm.s32 $0x108;
	s8 =	sld [smem:$0x3FB2]  }
0x2e: {  	s3 =	simm.s32 @!p0 $0x1082;
	s9 =	sld [smem:$0x3FB3]  }
0x2f: {  	lr =	sadd.s32 s0, s3;
	s0 =	sld [smem:$0x3FAA]  }
0x30: {  	s3 =	sld [smem:$0x3FAD]  }
0x31: {  	[smem:$0x3FB6] =	sst s10  }
0x32: {  	s10 =	sld [smem:$0x3FB4];
	_ =	sdelay $0x3  }
0x33: {  	p0 =	seq.s32 s10, $0x1;
	s10 =	sld [smem:$0x3FB6];
	_ =	sdelay $0x3  }
0x34: {  	[smem:$0x3FB6] =	sst s10  }
0x35: {  	s10 =	sld [smem:$0x3FB5];
	_ =	sdelay $0x3  }
0x36: {  	p1 =	seq.s32 s10, $0x1;
	s10 =	sld [smem:$0x3FB6];
	_ =	sdelay $0x3  }
0x37: {  	[smem:$0x3FB6] =	sst s10  }
0x38: {  	s10 =	sld [smem:$0x3FB7]  }
0x39: {  	_ = 	snop;
	(pc) =	sbr.ind lr, $3  }
0x3a: {  	_ = 	snop  }
0x3b: {  	_ = 	snop  }
0x3c: {  	p2 =	seq.s32 s10, $0x1;
	s10 =	sld [smem:$0x3FB6]  }
0x3d: {  	_ =	shalt  }
0x3e: {  	_ =	shalt  }
0x3f: {  	_ =	shalt  }
0x40: {  	_ =	shalt  }
0x41: {  	_ =	shalt  }
0x42: {  	_ =	shalt  }
0x43: {  	_ =	shalt  }
0x44: {  	_ =	shalt  }
0x45: {  	_ =	shalt  }
0x46: {  	_ =	shalt  }
0x47: {  	_ =	shalt  }
0x48: {  	_ =	shalt  }
0x49: {  	_ =	shalt  }
0x4a: {  	_ =	shalt  }
0x4b: {  	_ =	shalt  }
0x4c: {  	_ =	shalt  }
0x4d: {  	_ =	shalt  }
0x4e: {  	_ =	shalt  }
0x4f: {  	_ =	shalt  }
0x50: {  	_ =	shalt  }
0x51: {  	_ =	shalt  }
0x52: {  	_ =	shalt  }
0x53: {  	_ =	shalt  }
0x54: {  	_ =	shalt  }
0x55: {  	_ =	shalt  }
0x56: {  	_ =	shalt  }
0x57: {  	_ =	shalt  }
0x58: {  	_ =	shalt  }
0x59: {  	_ =	shalt  }
0x5a: {  	_ =	shalt  }
0x5b: {  	_ =	shalt  }
0x5c: {  	_ =	shalt  }
0x5d: {  	_ =	shalt  }
0x5e: {  	_ =	shalt  }
0x5f: {  	_ =	shalt  }
0x60: {  	_ =	shalt  }
0x61: {  	_ =	shalt  }
0x62: {  	_ =	shalt  }
0x63: {  	_ =	shalt  }
0x64: {  	_ =	shalt  }
0x65: {  	_ =	shalt  }
0x66: {  	_ =	shalt  }
0x67: {  	_ =	shalt  }
0x68: {  	_ =	shalt  }
0x69: {  	_ =	shalt  }
0x6a: {  	_ =	shalt  }
0x6b: {  	_ =	shalt  }
0x6c: {  	_ =	shalt  }
0x6d: {  	_ =	shalt  }
0x6e: {  	_ =	shalt  }
0x6f: {  	_ =	shalt  }
0x70: {  	_ =	shalt  }
0x71: {  	_ =	shalt  }
0x72: {  	_ =	shalt  }
0x73: {  	_ =	shalt  }
0x74: {  	_ =	shalt  }
0x75: {  	_ =	shalt  }
0x76: {  	_ =	shalt  }
0x77: {  	_ =	shalt  }
0x78: {  	_ =	shalt  }
0x79: {  	_ =	shalt  }
0x7a: {  	_ =	shalt  }
0x7b: {  	_ =	shalt  }
0x7c: {  	_ =	shalt  }
0x7d: {  	_ =	shalt  }
0x7e: {  	_ =	shalt  }
0x7f: {  	_ =	shalt  }
0x80: {  	_ =	shalt  }
0x81: {  	_ =	shalt  }
0x82: {  	_ =	shalt  }
0x83: {  	_ =	shalt  }
0x84: {  	_ =	shalt  }
0x85: {  	_ =	shalt  }
0x86: {  	_ =	shalt  }
0x87: {  	_ =	shalt  }
.Lfunc_end0:
.L_simem_size_0:
called_computation.1_lowered:
.L_overlay_start_0:
0x88: {  	s2 =	sld [smem:$0x3FD9]  }
0x89: {  	s3 =	sld [smem:$0x3FFE];
	_ =	sdelay $0x1  }
0x8a: {  	s1 =	srdreg.scid  }
0x8b: {  	s0 =	sand.u32 $0x1, s1  }
0x8c: {  	s14 =	sshll.u32 s0, $0xA;
	s2 =	sadd.s32 s3, s2  }
0x8d: {  	s2 =	sadd.s32 s2, s14  }
0x8e: {  	[smem:$0x3FC2] =	sst s2  }
0x8f: {  	_ = 	snop  }
0x90: {  	s2 =	sld [smem:$0x3FD0];
	_ =	sdelay $0x2  }
0x91: {  	s15 =	simm.s32 $0xA;
	s4 =	simm.s32 $0x10  }
0x92: {  	[smem:s4], [sflag:s15] =	dma.local [hbm:s2], $0x1  }
0x93: {  	_ =	swait.eq [sflag:s15], $0x1  }
0x94: {  	[sflag:s15] =	ssyncset.done $0x0  }
0x95: {  	[sflag:s15] =	ssyncadd.s32 $0xFFFFFFFF  }
0x96: {  	s16 =	sld [smem:$0x10];
	(tm) =	ssettm $0x1  }
0x97: {  	s17 =	sld [smem:$0x3FFB];
	_ =	sdelay $0x3  }
0x98: {  	_ =	strace s17  }
0x99: {  	s3 =	sld [smem:$0x3FFC];
	_ =	sdelay $0x3  }
0x9a: {  	_ =	strace s3  }
0x9b: {  	s3 =	sld [smem:$0x3FFD];
	_ =	sdelay $0x3  }
0x9c: {  	_ =	strace s3  }
0x9d: {  	_ =	strace $0x8FFFFFFF  }
0x9e: {  	s18 =	sld [smem:$0x3FDB];
	_ =	sdelay $0x1  }
0x9f: {  	s19 =	simm.s32 $_scs_section_size  }
0xa0: {  	s5 =	simm.s32 $_size__tile_overlayer_lowered;
	s6 =	simm.s32 $_tile_overlayer_lowered  }
0xa1: {  	s22 =	simm.s32 $0x1BFF;
	s21 =	sshll.u32 s6, $0x1;
	s3 =	sadd.s32 s19, s18  }
0xa2: {  	s7 =	simm.s32 $0x0;
	s20 =	sshll.u32 s5, $0x1;
	s5 =	sadd.s32 s21, s3  }
0xa3: {  	[timem:s7], [sflag:s22] =	dma.local [hbm:s5], s20  }
0xa4: {  	_ =	swait.ge [sflag:s22], s20  }
0xa5: {  	s4 =	ssub.s32 $0x0, s20;
	[sflag:s22] =	ssyncset.done $0x0  }
0xa6: {  	[sflag:s22] =	ssyncadd.s32 s4;
	_ =	sdelay $0x1  }
0xa7: {  	s23 =	simm.s32 $0x1B8B  }
0xa8: {  	_ =	swait.ge [sflag:s23], $0x1  }
0xa9: {  	[sflag:s23] =	ssyncset.done $0x0  }
0xaa: {  	s25 =	simm.s32 $0x1B8E;
	s24 =	sld [smem:$0x3FFE];
	[sflag:s23] =	ssyncadd.s32 $0xFFFFFFFF  }
0xab: {  	s26 =	simm.s32 $execute0_lowered;
	[smem:$0x3FD2] =	sst s25  }
0xac: {  	s5 =	sshll.u32 s26, $0x1;
	_ =	strace $0x80000049;
	[dreg:$0x1] =	wrdreg $0xFFFFFFFF  }
0xad: {  	s28 =	simm.s32 $_size_execute0_lowered;
	s3 =	sadd.s32 s3, s5;
	[dreg:$0x0] =	wrdreg $0x0  }
0xae: {  	s5 =	sshll.u32 s28, $0x1;
	[dreg:$0x2] =	wrdreg s3  }
0xaf: {  	[dreg:$0x3] =	wrdreg s5  }
0xb0: {  	[dreg:$0x4] =	wrdreg $0xC0  }
0xb1: {  	_ =	task [dreg:s7], $0x5FFFF  }
0xb2: {  	[dreg:$0x1] =	wrdreg $0xFFFFFFFF  }
0xb3: {  	[dreg:$0x0] =	wrdreg $0x60  }
0xb4: {  	[dreg:$0x2] =	wrdreg s24  }
0xb5: {  	[dreg:$0x3] =	wrdreg s16  }
0xb6: {  	[dreg:$0x4] =	wrdreg $0x82000  }
0xb7: {  	[dreg:$0x5] =	wrdreg $0x1C2000  }
0xb8: {  	[dreg:$0x6] =	wrdreg $0x9  }
0xb9: {  	_ =	task.clear_ibuf [dreg:s7], $0x7FFFF;
	_ =	strace $0x90000049  }
0xba: {  	s29 =	simm.s32 $0x9;
	_ =	strace $0x8000004B  }
0xbb: {  	_ =	swait.ge [sflag:s29], $0x1  }
0xbc: {  	[sflag:s29] =	ssyncadd.s32 $0xFFFFFFFF  }
0xbd: {  	_ =	strace $0x9000004B  }
0xbe: {  	_ =	sfence  }
0xbf: {  	s30 =	sld [smem:$0x0];
	_ =	sdelay $0x2  }
0xc0: {  	s31 =	sshll.u32 s1, $0xD;
	s1 =	sshrl.u32 s1, $0x2  }
0xc1: {  	s3 =	sand.u32 $0x4000, s31;
	s1 =	sadd.s32 s1, s30  }
0xc2: {  	s0 =	sor.u32 s3, s0;
	s1 =	sshll.u32 s1, $0x11  }
0xc3: {  	s0 =	sor.u32 s1, s0  }
0xc4: {  	s0 =	sadd.s32 $0x8F2B, s0  }
0xc5: {  	[sflag:s0] =	ssyncadd.remote.s32 $0x1  }
0xc6: {  	_ =	sfence.sel $0xFFFF  }
0xc7: {  	[dreg:$0x0] =	wrdreg $0xFFFFFFFF;
	(pc) =	sbr.abs _section_cstart, $3  }
0xc8: {  	[dreg:$0x1] =	wrdreg $0xFFFFFFFF  }
0xc9: {  	_ =	task.clear_ibuf [dreg:s7], $0x2FFFF;
	_ =	strace $0x9FFFFFFF  }
0xca: {  	(tm) =	ssettm $0x7FFFFFFF  }
0xcb: {  	_ =	shalt  }
tec
execute0_lowered:
.L_overlay_start_1:
0x0: {  	(tag) =	ssettag $0x1  }
0x1: {  	s8 =	rddreg [dreg:$0x0]  }
0x2: {  	s12 =	rddreg [dreg:$0x1]  }
0x3: {  	s2 =	rddreg [dreg:$0x2]  }
0x4: {  	s0 =	stileid.u32;
	s1 =	srdreg.scid  }
0x5: {  	s3 =	rddreg [dreg:$0x3];
	s4 =	simm.s32 $0x0;
	s19 =	simm.s32 $0x1  }
0x6: {  	s20 =	simm.s32 $0x100;
	s21 =	simm.s32 $0x4200;
	s22 =	simm.s32 $0x180  }
0x7: {  	s13 =	smul.u32 $0x500, s0;
	s9 =	sand.u32 $0x1, s1;
	s1 =	rddreg [dreg:$0x4]  }
0x8: {  	s23 =	simm.s32 $0x0;
	[smem:$0x7FF] =	sst s4;
	s7 =	smul.u32 $0x14000, s0  }
0x9: {  	s5 =	sadd.s32 $0xD8400, s8;
	s11 =	sshll.u32 s0, $0x7;
	s16 =	smul.u32 $0x50000, s0  }
0xa: {  	s29 =	sshll.u32 s0, $0x6;
	s18 =	sshll.u32 s0, $0xA;
	s6 =	smul.u32 $0x140000, s9  }
0xb: {  	_ =	strace $0x8000004A;
	s15 =	ssub.s32 $0x2, s9;
	s11 =	sadd.s32 s11, s8  }
0xc: {  	s30 =	sshll.u32 s9, $0xB;
	s31 =	smul.u32 $0x280, s9;
	s18 =	sadd.s32 s18, s3  }
0xd: {  	s14 =	sadd.s32 s13, s8;
	s26 =	sshrl.u32 s15, $0x1;
	s28 =	sshrl.u32 s16, $0x2  }
0xe: {  	s11 =	sadd.s32 s30, s11;
	s13 =	sadd.s32 s13, s12;
	s16 =	sshrl.u32 s18, $0x3  }
0xf: {  	s18 =	simm.s32 $0x200;
	s10 =	sadd.s32 s7, s6;
	s6 =	sadd.s32 $0xD7C00, s8  }
0x10: {  	s7 =	sadd.s32 $0x1200, s8;
	s15 =	ssub.s32 s15, s26;
	s17 =	sadd.s32 s28, s2  }
0x11: {  	s14 =	sadd.s32 s31, s14;
	s13 =	sadd.s32 s31, s13;
	s10 =	sshrl.u32 s10, $0x3  }
0x12: {  	s12 =	sadd.s32 $0xD2C00, s14;
	s14 =	sshrl.u32 s17, $0x3;
	s10 =	sadd.s32 s10, s8  }
0x13: {  	s17 =	simm.s32 $0x80;
	s8 =	sor.u32 $0x1C02, s29;
	s9 =	sadd.s32 $0x4A00, s10  }
0x14: {  	s10 =	sadd.s32 $0x3A00, s11;
	s11 =	smax.u32 s15, $0x1;
	s15 =	simm.s32 $0x2  }
.LBB2_1:
0x15: {  	[spmem:s14], [sflag:s8] =	dma.local [hbm:s7], $0x2800  }
0x16: {  	_ =	swait.ge [sflag:s15], $0x2800  }
0x17: {  	[sflag:s15] =	ssyncset.done $0x0  }
0x18: {  	[sflag:s15] =	ssyncadd.s32 $0xFFFFD800  }
0x19: {  	[spmem:s16], [sflag:s8] =	dma.local [hbm:s7], $0x80  }
0x1a: {  	_ =	swait.ge [sflag:s15], $0x80  }
0x1b: {  	[sflag:s15] =	ssyncset.done $0x0  }
0x1c: {  	[sflag:s15] =	ssyncadd.s32 $0xFFFFFF80  }
0x1d: {  	s24 =	sadd.s32 $0x0, s13;
	[bflag:$0x0] =	sbarrier.arrive $0xFFFF  }
0x1e: {  	[tilespmem:s4], [sflag:$0x2] =	stream.linear.gather [hbm4b:s24+s4], $0x80, $0x38;
	[tilespmem:$0x1C600] =	vst v63  }
0x1f: {  	_ =	swait.ge [sflag:s15], $0x80  }
0x20: {  	[sflag:s15] =	ssyncset.done $0x0  }
0x21: {  	s31 =	sadd.s32 $0x0, s12;
	[sflag:s15] =	ssyncadd.s32 $0xFFFFFF80  }
0x22: {  	[tilespmem:s17], [sflag:$0x2] =	stream.linear.gather [hbm4b:s31+s4], $0x80, $0x38;
	[tilespmem:$0x1C600] =	vst v63  }
0x23: {  	_ =	swait.ge [sflag:s15], $0x80  }
0x24: {  	[sflag:s15] =	ssyncset.done $0x0  }
0x25: {  	[sflag:s15] =	ssyncadd.s32 $0xFFFFFF80  }
0x26: {  	v0 =	vld [tilespmem:$0xF0];
	_ =	sdelay $0x1  }
0x27: {  	v1 =	vld [tilespmem:$0xE0]  }
0x28: {  	v2 =	vld [tilespmem:$0xA0];
	_ =	sdelay $0x1  }
0x29: {  	v3 =	vand.u32 $0x7F, v0  }
0x2a: {  	v4 =	vld [tilespmem:$0xB0];
	v0 =	vshrl.u32 v0, $0x7;
	[tilespmem:$0x170] =	vst v3  }
0x2b: {  	v52 =	vld [tilespmem:$0x80];
	v5 =	vand.u32 $0x7F, v1;
	[tilespmem:$0x1F0] =	vst v0  }
0x2c: {  	v53 =	vld [tilespmem:$0xD0];
	v6 =	vand.u32 $0x7F, v2;
	[tilespmem:$0x160] =	vst v5  }
0x2d: {  	v54 =	vld [tilespmem:$0x90];
	v1 =	vshrl.u32 v1, $0x7;
	[tilespmem:$0x120] =	vst v6  }
0x2e: {  	v2 =	vshrl.u32 v2, $0x7;
	[tilespmem:$0x1E0] =	vst v1  }
0x2f: {  	v55 =	vshrl.u32 v4, $0x7;
	[tilespmem:$0x1A0] =	vst v2  }
0x30: {  	v57 =	vld [tilespmem:$0xC0];
	v56 =	vshrl.u32 v52, $0x7;
	[tilespmem:$0x1B0] =	vst v55  }
0x31: {  	v58 =	vshrl.u32 v53, $0x7;
	[tilespmem:$0x180] =	vst v56  }
0x32: {  	v59 =	vshrl.u32 v54, $0x7;
	[tilespmem:$0x1D0] =	vst v58  }
0x33: {  	v60 =	vand.u32 $0x7F, v4;
	[tilespmem:$0x190] =	vst v59  }
0x34: {  	v61 =	vand.u32 $0x7F, v54;
	[tilespmem:$0x130] =	vst v60  }
0x35: {  	v62 =	vand.u32 $0x7F, v57;
	[tilespmem:$0x110] =	vst v61  }
0x36: {  	v63 =	vand.u32 $0x7F, v52;
	[tilespmem:$0x140] =	vst v62  }
0x37: {  	v0 =	vand.u32 $0x7F, v53;
	[tilespmem:$0x100] =	vst v63  }
0x38: {  	v1 =	vshrl.u32 v57, $0x7;
	[tilespmem:$0x150] =	vst v0  }
0x39: {  	s24 =	simm.s32 $0x10;
	[tilespmem:$0x1C0] =	vst v1  }
.LBB2_2:
0x3a: {  	[tilespmem:s18], [sflag:$0x1] =	stream.indirect.gather [hbm4b:s5+s17], $0x80, s4, s17, $0xb8;
	[tilespmem:$0x1C600] =	vst v63  }
0x3b: {  	s25 =	smov.u32 s24  }
0x3c: {  	p0 =	sne.s32 s24, $0x270;
	s24 =	sadd.s32 $0x10, s24;
	_ =	swait.ge [sflag:s19], $0x4000  }
0x3d: {  	[sflag:s19] =	ssyncset.done $0x0  }
0x3e: {  	[sflag:s19] =	ssyncadd.s32 $0xFFFFC000  }
0x3f: {  	[tilespmem:s21], [sflag:$0x1] =	stream.indirect.gather [hbm4b:s6+s17], $0x80, s20, s17, $0xb8;
	[tilespmem:$0x1C600] =	vst v63  }
0x40: {  	_ =	swait.ge [sflag:s19], $0x4000  }
0x41: {  	[sflag:s19] =	ssyncset.done $0x0  }
0x42: {  	[sflag:s19] =	ssyncadd.s32 $0xFFFFC000  }
0x43: {  	[spmem:s2] =	stream.indirect.scatter.add.f32 [tilespmem:s18], [sflag:$0x2], $0x80, s17, s17, $0xb8;
	[tilespmem:$0x1C600] =	vst v63  }
0x44: {  	_ =	swait.ge [sflag:s15], $0x4000  }
0x45: {  	[sflag:s15] =	ssyncset.done $0x0  }
0x46: {  	[sflag:s15] =	ssyncadd.s32 $0xFFFFC000  }
0x47: {  	[spmem:s3] =	stream.indirect.scatter.add.f32 [tilespmem:s21], [sflag:$0x2], $0x80, s22, s17, $0xb8;
	[tilespmem:$0x1C600] =	vst v63  }
0x48: {  	_ =	swait.ge [sflag:s15], $0x4000  }
0x49: {  	[sflag:s15] =	ssyncset.done $0x0  }
0x4a: {  	s26 =	sadd.s32 s25, s13;
	[sflag:s15] =	ssyncadd.s32 $0xFFFFC000  }
0x4b: {  	[tilespmem:s4], [sflag:$0x2] =	stream.linear.gather [hbm4b:s26+s4], $0x80, $0x38;
	[tilespmem:$0x1C600] =	vst v63  }
0x4c: {  	_ =	swait.ge [sflag:s15], $0x80  }
0x4d: {  	[sflag:s15] =	ssyncset.done $0x0  }
0x4e: {  	s25 =	sadd.s32 s25, s12;
	[sflag:s15] =	ssyncadd.s32 $0xFFFFFF80  }
0x4f: {  	[tilespmem:s17], [sflag:$0x2] =	stream.linear.gather [hbm4b:s25+s4], $0x80, $0x38;
	[tilespmem:$0x1C600] =	vst v63  }
0x50: {  	_ =	swait.ge [sflag:s15], $0x80  }
0x51: {  	[sflag:s15] =	ssyncset.done $0x0  }
0x52: {  	[sflag:s15] =	ssyncadd.s32 $0xFFFFFF80  }
0x53: {  	v0 =	vld [tilespmem:$0xF0]  }
0x54: {  	v1 =	vld [tilespmem:$0xE0]  }
0x55: {  	v2 =	vld [tilespmem:$0x90]  }
0x56: {  	v3 =	vld [tilespmem:$0xA0]  }
0x57: {  	v4 =	vld [tilespmem:$0x80]  }
0x58: {  	v5 =	vld [tilespmem:$0xB0];
	v6 =	vand.u32 $0x7F, v0;
	v0 =	vshrl.u32 v0, $0x7  }
0x59: {  	v7 =	vld [tilespmem:$0xC0];
	v8 =	vand.u32 $0x7F, v1;
	v1 =	vshrl.u32 v1, $0x7;
	[tilespmem:$0x170] =	vst v6  }
0x5a: {  	v6 =	vld [tilespmem:$0xD0];
	[tilespmem:$0x1F0] =	vst v0  }
0x5b: {  	v0 =	vand.u32 $0x7F, v2;
	v2 =	vshrl.u32 v2, $0x7;
	v9 =	vand.u32 $0x7F, v3;
	[tilespmem:$0x160] =	vst v8  }
0x5c: {  	v3 =	vshrl.u32 v3, $0x7;
	v8 =	vand.u32 $0x7F, v4;
	v4 =	vshrl.u32 v4, $0x7;
	[tilespmem:$0x120] =	vst v9  }
0x5d: {  	v9 =	vand.u32 $0x7F, v5;
	v5 =	vshrl.u32 v5, $0x7;
	[tilespmem:$0x1E0] =	vst v1  }
0x5e: {  	[tilespmem:$0x1A0] =	vst v3;
	v1 =	vand.u32 $0x7F, v7;
	v3 =	vshrl.u32 v7, $0x7  }
0x5f: {  	[tilespmem:$0x1B0] =	vst v5;
	v5 =	vand.u32 $0x7F, v6;
	v6 =	vshrl.u32 v6, $0x7  }
0x60: {  	[tilespmem:$0x180] =	vst v4  }
0x61: {  	[tilespmem:$0x1D0] =	vst v6  }
0x62: {  	[tilespmem:$0x190] =	vst v2  }
0x63: {  	[tilespmem:$0x150] =	vst v5  }
.Ltmp0:
0x64: {  	[tilespmem:$0x130] =	vst v9;
	(pc) =	sbr.rel @p0 .LBB2_2-.Ltmp0, $4  }
0x65: {  	[tilespmem:$0x110] =	vst v0  }
0x66: {  	[tilespmem:$0x140] =	vst v1  }
0x67: {  	[tilespmem:$0x100] =	vst v8  }
0x68: {  	[tilespmem:$0x1C0] =	vst v3  }
0x69: {  	[tilespmem:s18], [sflag:$0x1] =	stream.indirect.gather [hbm4b:s5+s17], $0x80, s4, s17, $0xb8;
	[tilespmem:$0x1C600] =	vst v63  }
0x6a: {  	_ =	swait.ge [sflag:s19], $0x4000  }
0x6b: {  	[sflag:s19] =	ssyncset.done $0x0  }
0x6c: {  	[sflag:s19] =	ssyncadd.s32 $0xFFFFC000  }
0x6d: {  	[tilespmem:s21], [sflag:$0x1] =	stream.indirect.gather [hbm4b:s6+s17], $0x80, s20, s17, $0xb8;
	[tilespmem:$0x1C600] =	vst v63  }
0x6e: {  	_ =	swait.ge [sflag:s19], $0x4000  }
0x6f: {  	[sflag:s19] =	ssyncset.done $0x0  }
0x70: {  	[sflag:s19] =	ssyncadd.s32 $0xFFFFC000  }
0x71: {  	[spmem:s2] =	stream.indirect.scatter.add.f32 [tilespmem:s18], [sflag:$0x2], $0x80, s17, s17, $0xb8;
	[tilespmem:$0x1C600] =	vst v63  }
0x72: {  	_ =	swait.ge [sflag:s15], $0x4000  }
0x73: {  	[sflag:s15] =	ssyncset.done $0x0  }
0x74: {  	[sflag:s15] =	ssyncadd.s32 $0xFFFFC000  }
0x75: {  	[spmem:s3] =	stream.indirect.scatter.add.f32 [tilespmem:s21], [sflag:$0x2], $0x80, s22, s17, $0xb8;
	[tilespmem:$0x1C600] =	vst v63  }
0x76: {  	_ =	swait.ge [sflag:s15], $0x4000  }
0x77: {  	[sflag:s15] =	ssyncset.done $0x0  }
0x78: {  	[sflag:s15] =	ssyncadd.s32 $0xFFFFC000  }
0x79: {  	[bflag:$0x0] =	sbarrier.arrive $0xFFFF  }
0x7a: {  	[hbm:s9], [sflag:s8] =	dma.local [spmem:s14], $0x2800  }
0x7b: {  	s23 =	sadd.s32 $0x1, s23;
	_ =	swait.ge [sflag:s15], $0x2800  }
0x7c: {  	p0 =	sne.s32 s23, s11;
	[sflag:s15] =	ssyncset.done $0x0  }
.Ltmp1:
0x7d: {  	[sflag:s15] =	ssyncadd.s32 $0xFFFFD800;
	(pc) =	sbr.rel @p0 .LBB2_1-.Ltmp1, $4  }
0x7e: {  	[hbm:s10], [sflag:s8] =	dma.local [spmem:s16], $0x80  }
0x7f: {  	_ =	swait.ge [sflag:s15], $0x80  }
0x80: {  	[sflag:s15] =	ssyncset.done $0x0  }
0x81: {  	[sflag:s15] =	ssyncadd.s32 $0xFFFFFF80  }
0x82: {  	_ =	sfence.sel $0x180000  }
0x83: {  	[bflag:$0x0] =	sbarrier.arrive $0xFFFF  }
0x84: {  	p0 =	sne.s32 s0, $0x0;
	_ =	strace $0x9000004A  }
0x85: {  	s0 =	sadd.s32 @!p0 $0x100000, s1;
	[bflag:$0x2] =	sbarrier.arrive $0xFFFF  }
0x86: {  	[sflag:s0] =	ssyncadd.tile.s32 @!p0 $0x1;
	_ =	shalt  }
.Lfunc_end2:
_tile_overlayer_lowered:
.L_overlay_start_2:
0x87: {  	(tag) =	ssettag $0x2  }
0x88: {  	s0 =	rddreg [dreg:$0x0];
	s2 =	stileid.u32  }
0x89: {  	s1 =	rddreg [dreg:$0x1];
	p0 =	sne.s32 s2, $0x0  }
0x8a: {  	s3 =	rddreg [dreg:$0x2];
	[bflag:$0x3] =	sbarrier.arrive $0xFFFF;
	s2 =	simm.s32 @!p0 $0x1C02  }
0x8b: {  	[timem:s3], [sflag:s2] =	dma.local @!p0 [hbm:s0], s1  }
0x8c: {  	s0 =	simm.s32 @!p0 $0x2  }
0x8d: {  	_ =	swait.ge @!p0 [sflag:s0], s1  }
0x8e: {  	s1 =	ssub.s32 @!p0 $0x0, s1;
	[sflag:s0] =	ssyncset.done @!p0 $0x0  }
0x8f: {  	[sflag:s0] =	ssyncadd.s32 @!p0 s1  }
0x90: {  	[bflag:$0x3] =	sbarrier.arrive $0xFFFF  }
0x91: {  	_ =	shalt  }

// kernel: kernel.7.cloned.1.call-start
scs
__scs_entry_jumppad:
0x0: {  	(pc) =	sbr.rel $0x88, $3  }
0x1: {  	(tag) =	ssettag $0x0;
	lr =	simm.s32 $0x1  }
0x2: {  	[smem:$0x3F9B] =	sst lr;
	_ =	strace $0xD0000000  }
0x3: {  	_ = 	snop  }
0x4: {  	_ = 	snop  }
0x5: {  	_ = 	snop  }
0x6: {  	_ = 	snop  }
0x7: {  	_ = 	snop  }
__scs_overlays_trampoline_lowered:
0x8: {  	[smem:$0x3FAA] =	sst s0  }
0x9: {  	[smem:$0x3FAB] =	sst s1  }
0xa: {  	[smem:$0x3FAC] =	sst s2  }
0xb: {  	[smem:$0x3FAD] =	sst s3  }
0xc: {  	[smem:$0x3FAE] =	sst s4  }
0xd: {  	[smem:$0x3FAF] =	sst s5  }
0xe: {  	[smem:$0x3FB0] =	sst s6  }
0xf: {  	[smem:$0x3FB1] =	sst s7  }
0x10: {  	[smem:$0x3FB2] =	sst s8  }
0x11: {  	[smem:$0x3FB3] =	sst s9;
	s0 =	simm.s32 @!p0 $0x0  }
0x12: {  	s1 =	sld [smem:$0x3F99];
	s0 =	simm.s32 @p0 $0x1  }
0x13: {  	[smem:$0x3FB4] =	sst s0;
	s0 =	simm.s32 @!p1 $0x0  }
0x14: {  	s2 =	sld [smem:$0x3F98];
	s0 =	simm.s32 @p1 $0x1  }
0x15: {  	[smem:$0x3FB5] =	sst s0;
	s0 =	simm.s32 @!p2 $0x0  }
0x16: {  	s3 =	sld [smem:$0x3FDB];
	s0 =	simm.s32 @p2 $0x1  }
0x17: {  	s4 =	simm.s32 $0x1BF5;
	[smem:$0x3FB7] =	sst s0  }
0x18: {  	s0 =	sld [smem:$0x3F9A];
	_ =	swait.ge [sflag:s4], $0x0  }
0x19: {  	s7 =	sld [smem:$0x3F9B]  }
0x1a: {  	s8 =	sadd.s32 $0xFFFFE003, lr  }
0x1b: {  	s9 =	sadd.s32 $0xFFFFFEF7, lr;
	s5 =	simm.s32 $0xFFFFFFFF;
	p2 =	slt.u32 s8, $0xFFFFF086  }
0x1c: {  	p1 =	slt.u32 s9, $0xF7A;
	s5 =	simm.s32 @!p2 $0x0  }
0x1d: {  	s5 =	simm.s32 @p1 $0x1;
	p0 =	seq.s32 s7, s2  }
0x1e: {  	s7 =	smul.u32 @!p0 $0xF7A, s2;
	p2 =	seq.s32 @!p0 s5, $0x0  }
0x1f: {  	s9 =	smul.u32 $0xF7A, s1;
	s8 =	simm.s32 @!p0 $0x1BF5;
	p2 =	por !p2, p0  }
0x20: {  	[sflag:s8] =	ssyncset.s32 @!p0 $0xFFFFF086;
	s6 =	sadd.s32 @!p0 s3, s7;
	s7 =	simm.s32 @!p0 $0x108  }
0x21: {  	s3 =	sadd.s32 s3, s9;
	s6 =	sadd.s32 @!p0 $0x88, s6;
	s7 =	simm.s32 @p2 $0x1082  }
0x22: {  	[simem:s7], [sflag:s8] =	dma.local @!p0 [hbm:s6], $0xF7A  }
0x23: {  	s9 =	sor.u32 $0xD0000000, s2;
	s6 =	simm.s32 $0x108;
	_ =	swait.ge @!p0 [sflag:s8], $0x0  }
0x24: {  	s3 =	sadd.s32 $0x88, s3;
	s6 =	simm.s32 @!p1 $0x1082;
	[sflag:s4] =	ssyncset.s32 $0xFFFFF086  }
0x25: {  	[simem:s6], [sflag:s4] =	dma.local [hbm:s3], $0xF7A  }
0x26: {  	[smem:$0x3F9B] =	sst s1;
	(tag) =	ssettag s2;
	_ =	strace s9  }
0x27: {  	s1 =	sld [smem:$0x3FAB]  }
0x28: {  	s2 =	sld [smem:$0x3FAC]  }
0x29: {  	s4 =	sld [smem:$0x3FAE]  }
0x2a: {  	p0 =	seq.s32 s5, $0x0;
	s5 =	sld [smem:$0x3FAF]  }
0x2b: {  	s6 =	sld [smem:$0x3FB0]  }
0x2c: {  	s7 =	sld [smem:$0x3FB1]  }
0x2d: {  	s3 =	simm.s32 $0x108;
	s8 =	sld [smem:$0x3FB2]  }
0x2e: {  	s3 =	simm.s32 @!p0 $0x1082;
	s9 =	sld [smem:$0x3FB3]  }
0x2f: {  	lr =	sadd.s32 s0, s3;
	s0 =	sld [smem:$0x3FAA]  }
0x30: {  	s3 =	sld [smem:$0x3FAD]  }
0x31: {  	[smem:$0x3FB6] =	sst s10  }
0x32: {  	s10 =	sld [smem:$0x3FB4];
	_ =	sdelay $0x3  }
0x33: {  	p0 =	seq.s32 s10, $0x1;
	s10 =	sld [smem:$0x3FB6];
	_ =	sdelay $0x3  }
0x34: {  	[smem:$0x3FB6] =	sst s10  }
0x35: {  	s10 =	sld [smem:$0x3FB5];
	_ =	sdelay $0x3  }
0x36: {  	p1 =	seq.s32 s10, $0x1;
	s10 =	sld [smem:$0x3FB6];
	_ =	sdelay $0x3  }
0x37: {  	[smem:$0x3FB6] =	sst s10  }
0x38: {  	s10 =	sld [smem:$0x3FB7]  }
0x39: {  	_ = 	snop;
	(pc) =	sbr.ind lr, $3  }
0x3a: {  	_ = 	snop  }
0x3b: {  	_ = 	snop  }
0x3c: {  	p2 =	seq.s32 s10, $0x1;
	s10 =	sld [smem:$0x3FB6]  }
0x3d: {  	_ =	shalt  }
0x3e: {  	_ =	shalt  }
0x3f: {  	_ =	shalt  }
0x40: {  	_ =	shalt  }
0x41: {  	_ =	shalt  }
0x42: {  	_ =	shalt  }
0x43: {  	_ =	shalt  }
0x44: {  	_ =	shalt  }
0x45: {  	_ =	shalt  }
0x46: {  	_ =	shalt  }
0x47: {  	_ =	shalt  }
0x48: {  	_ =	shalt  }
0x49: {  	_ =	shalt  }
0x4a: {  	_ =	shalt  }
0x4b: {  	_ =	shalt  }
0x4c: {  	_ =	shalt  }
0x4d: {  	_ =	shalt  }
0x4e: {  	_ =	shalt  }
0x4f: {  	_ =	shalt  }
0x50: {  	_ =	shalt  }
0x51: {  	_ =	shalt  }
0x52: {  	_ =	shalt  }
0x53: {  	_ =	shalt  }
0x54: {  	_ =	shalt  }
0x55: {  	_ =	shalt  }
0x56: {  	_ =	shalt  }
0x57: {  	_ =	shalt  }
0x58: {  	_ =	shalt  }
0x59: {  	_ =	shalt  }
0x5a: {  	_ =	shalt  }
0x5b: {  	_ =	shalt  }
0x5c: {  	_ =	shalt  }
0x5d: {  	_ =	shalt  }
0x5e: {  	_ =	shalt  }
0x5f: {  	_ =	shalt  }
0x60: {  	_ =	shalt  }
0x61: {  	_ =	shalt  }
0x62: {  	_ =	shalt  }
0x63: {  	_ =	shalt  }
0x64: {  	_ =	shalt  }
0x65: {  	_ =	shalt  }
0x66: {  	_ =	shalt  }
0x67: {  	_ =	shalt  }
0x68: {  	_ =	shalt  }
0x69: {  	_ =	shalt  }
0x6a: {  	_ =	shalt  }
0x6b: {  	_ =	shalt  }
0x6c: {  	_ =	shalt  }
0x6d: {  	_ =	shalt  }
0x6e: {  	_ =	shalt  }
0x6f: {  	_ =	shalt  }
0x70: {  	_ =	shalt  }
0x71: {  	_ =	shalt  }
0x72: {  	_ =	shalt  }
0x73: {  	_ =	shalt  }
0x74: {  	_ =	shalt  }
0x75: {  	_ =	shalt  }
0x76: {  	_ =	shalt  }
0x77: {  	_ =	shalt  }
0x78: {  	_ =	shalt  }
0x79: {  	_ =	shalt  }
0x7a: {  	_ =	shalt  }
0x7b: {  	_ =	shalt  }
0x7c: {  	_ =	shalt  }
0x7d: {  	_ =	shalt  }
0x7e: {  	_ =	shalt  }
0x7f: {  	_ =	shalt  }
0x80: {  	_ =	shalt  }
0x81: {  	_ =	shalt  }
0x82: {  	_ =	shalt  }
0x83: {  	_ =	shalt  }
0x84: {  	_ =	shalt  }
0x85: {  	_ =	shalt  }
0x86: {  	_ =	shalt  }
0x87: {  	_ =	shalt  }
.Lfunc_end0:
.L_simem_size_0:
called_computation_lowered:
.L_overlay_start_0:
0x88: {  	s2 =	sld [smem:$0x3FD9]  }
0x89: {  	s3 =	sld [smem:$0x3FFE];
	_ =	sdelay $0x1  }
0x8a: {  	s1 =	srdreg.scid  }
0x8b: {  	s0 =	sand.u32 $0x1, s1  }
0x8c: {  	s17 =	sshll.u32 s0, $0xA;
	s2 =	sadd.s32 s3, s2  }
0x8d: {  	s2 =	sadd.s32 s2, s17  }
0x8e: {  	[smem:$0x3FC2] =	sst s2  }
0x8f: {  	_ = 	snop  }
0x90: {  	s2 =	sld [smem:$0x3FC9];
	(tm) =	ssettm $0x1  }
0x91: {  	s18 =	sld [smem:$0x3FFB];
	_ =	sdelay $0x3  }
0x92: {  	_ =	strace s18  }
0x93: {  	s3 =	sld [smem:$0x3FFC];
	_ =	sdelay $0x3  }
0x94: {  	_ =	strace s3  }
0x95: {  	s3 =	sld [smem:$0x3FFD];
	_ =	sdelay $0x3  }
0x96: {  	_ =	strace s3  }
0x97: {  	_ =	strace $0x8FFFFFFF  }
0x98: {  	s19 =	sld [smem:$0x3FDB];
	_ =	sdelay $0x1  }
0x99: {  	s4 =	simm.s32 $_scs_section_size  }
0x9a: {  	s5 =	simm.s32 $_size__tile_overlayer_lowered;
	s6 =	simm.s32 $_tile_overlayer_lowered  }
0x9b: {  	s22 =	simm.s32 $0x1BFF;
	s21 =	sshll.u32 s6, $0x1;
	s3 =	sadd.s32 s4, s19  }
0x9c: {  	s7 =	simm.s32 $0x0;
	s20 =	sshll.u32 s5, $0x1;
	s5 =	sadd.s32 s21, s3  }
0x9d: {  	[timem:s7], [sflag:s22] =	dma.local [hbm:s5], s20  }
0x9e: {  	_ =	swait.ge [sflag:s22], s20  }
0x9f: {  	s4 =	ssub.s32 $0x0, s20;
	[sflag:s22] =	ssyncset.done $0x0  }
0xa0: {  	[sflag:s22] =	ssyncadd.s32 s4;
	_ =	sdelay $0x1  }
0xa1: {  	s23 =	simm.s32 $0x1B8B  }
0xa2: {  	_ =	swait.ge [sflag:s23], $0x1  }
0xa3: {  	[sflag:s23] =	ssyncset.done $0x0  }
0xa4: {  	s25 =	simm.s32 $0x1B8E;
	s24 =	sld [smem:$0x3FFE];
	[sflag:s23] =	ssyncadd.s32 $0xFFFFFFFF  }
0xa5: {  	s26 =	simm.s32 $execute0_lowered;
	[smem:$0x3FD2] =	sst s25  }
0xa6: {  	s5 =	sshll.u32 s26, $0x1;
	_ =	strace $0x80000046;
	[dreg:$0x1] =	wrdreg $0xFFFFFFFF  }
0xa7: {  	s28 =	simm.s32 $_size_execute0_lowered;
	s3 =	sadd.s32 s3, s5;
	[dreg:$0x0] =	wrdreg $0x0  }
0xa8: {  	s5 =	sshll.u32 s28, $0x1;
	[dreg:$0x2] =	wrdreg s3  }
0xa9: {  	[dreg:$0x3] =	wrdreg s5  }
0xaa: {  	[dreg:$0x4] =	wrdreg $0xC0  }
0xab: {  	_ =	task [dreg:s7], $0x5FFFF  }
0xac: {  	[dreg:$0x1] =	wrdreg $0xFFFFFFFF  }
0xad: {  	[dreg:$0x0] =	wrdreg $0x60  }
0xae: {  	[dreg:$0x2] =	wrdreg s2  }
0xaf: {  	[dreg:$0x3] =	wrdreg s24  }
0xb0: {  	[dreg:$0x4] =	wrdreg $0x9  }
0xb1: {  	_ =	task.clear_ibuf [dreg:s7], $0x5FFFF;
	_ =	strace $0x90000046  }
0xb2: {  	s29 =	simm.s32 $0x9;
	_ =	strace $0x80000048  }
0xb3: {  	_ =	swait.ge [sflag:s29], $0x1  }
0xb4: {  	[sflag:s29] =	ssyncadd.s32 $0xFFFFFFFF  }
0xb5: {  	_ =	strace $0x90000048  }
0xb6: {  	_ =	sfence  }
0xb7: {  	s30 =	sld [smem:$0x0];
	_ =	sdelay $0x2  }
0xb8: {  	s31 =	sshll.u32 s1, $0xD;
	s1 =	sshrl.u32 s1, $0x2  }
0xb9: {  	s3 =	sand.u32 $0x4000, s31;
	s1 =	sadd.s32 s1, s30  }
0xba: {  	s0 =	sor.u32 s3, s0;
	s1 =	sshll.u32 s1, $0x11  }
0xbb: {  	s0 =	sor.u32 s1, s0  }
0xbc: {  	s0 =	sadd.s32 $0x8F2B, s0  }
0xbd: {  	[sflag:s0] =	ssyncadd.remote.s32 $0x1  }
0xbe: {  	_ =	sfence.sel $0xFFFF  }
0xbf: {  	[dreg:$0x0] =	wrdreg $0xFFFFFFFF;
	(pc) =	sbr.abs _section_cstart, $3  }
0xc0: {  	[dreg:$0x1] =	wrdreg $0xFFFFFFFF  }
0xc1: {  	_ =	task.clear_ibuf [dreg:s7], $0x2FFFF;
	_ =	strace $0x9FFFFFFF  }
0xc2: {  	(tm) =	ssettm $0x7FFFFFFF  }
0xc3: {  	_ =	shalt  }
tec
execute0_lowered:
.L_overlay_start_1:
0x0: {  	(tag) =	ssettag $0x1  }
0x1: {  	s2 =	rddreg [dreg:$0x0]  }
0x2: {  	s4 =	rddreg [dreg:$0x1]  }
0x3: {  	s0 =	rddreg [dreg:$0x2];
	s1 =	stileid.u32  }
0x4: {  	s5 =	srdreg.scid;
	s3 =	simm.s32 $0x0;
	s6 =	smul.u32 $0xD00, s1  }
0x5: {  	s10 =	simm.s32 $0x0;
	s5 =	sand.u32 $0x1, s5;
	s8 =	smul.u32 $0xD000, s1  }
0x6: {  	[smem:$0x7FF] =	sst s3;
	s7 =	smul.u32 $0x680, s5;
	s9 =	ssub.s32 $0x2, s5  }
0x7: {  	_ =	strace $0x80000047;
	s5 =	smul.u32 $0x6800, s5;
	s31 =	sshrl.u32 s9, $0x1  }
0x8: {  	s8 =	sadd.s32 s8, s4;
	s6 =	sadd.s32 s7, s6;
	s7 =	ssub.s32 s9, s31  }
0x9: {  	s5 =	sadd.s32 s5, s8;
	s8 =	simm.s32 $0x80;
	s6 =	sshrl.u32 s6, $0x3  }
0xa: {  	s9 =	simm.s32 $0x1;
	s5 =	sadd.s32 $0x2C00, s5;
	s6 =	sadd.s32 s6, s4  }
0xb: {  	s4 =	smax.u32 s7, $0x1;
	s7 =	simm.s32 $0x2;
	s6 =	sadd.s32 $0x1200, s6  }
.LBB2_1:
0xc: {  	s11 =	sadd.s32 $0x0, s6  }
0xd: {  	[tilespmem:s3], [sflag:$0x2] =	stream.linear.gather [hbm4b:s11+s3], $0x80, $0x38;
	[tilespmem:$0x4080] =	vst v63  }
0xe: {  	_ =	swait.ge [sflag:s7], $0x80  }
0xf: {  	[sflag:s7] =	ssyncset.done $0x0  }
0x10: {  	[sflag:s7] =	ssyncadd.s32 $0xFFFFFF80  }
0x11: {  	[tilespmem:s8], [sflag:$0x1] =	stream.indirect.gather [hbm4b:s2+s8], $0x80, s3, s8, $0xb8;
	[tilespmem:$0x4080] =	vst v63  }
0x12: {  	_ =	swait.ge [sflag:s9], $0x4000  }
0x13: {  	[sflag:s9] =	ssyncset.done $0x0  }
0x14: {  	[sflag:s9] =	ssyncadd.s32 $0xFFFFC000  }
0x15: {  	[hbm4b:s5+s3] =	stream.linear.scatter [tilespmem:s8], [sflag:$0x2], $0x4000, $0x38;
	[tilespmem:$0x4080] =	vst v63  }
0x16: {  	s12 =	simm.s32 $0x10;
	_ =	swait.ge [sflag:s7], $0x4000  }
0x17: {  	s13 =	simm.s32 $0x20;
	s11 =	sadd.s32 $0x800, s5;
	[sflag:s7] =	ssyncset.done $0x0  }
.LBB2_2:
0x18: {  	s14 =	sadd.s32 s12, s6  }
0x19: {  	[sflag:s7] =	ssyncadd.s32 $0xFFFFC000;
	s12 =	smov.u32 s13;
	s15 =	sadd.s32 $0x10, s13  }
0x1a: {  	[tilespmem:s3], [sflag:$0x2] =	stream.linear.gather [hbm4b:s14+s3], $0x80, $0x38;
	[tilespmem:$0x4080] =	vst v63  }
0x1b: {  	p0 =	sne.s32 s13, $0xC0;
	_ =	swait.ge [sflag:s7], $0x80  }
0x1c: {  	[sflag:s7] =	ssyncset.done $0x0  }
0x1d: {  	[sflag:s7] =	ssyncadd.s32 $0xFFFFFF80  }
0x1e: {  	[tilespmem:s8], [sflag:$0x1] =	stream.indirect.gather [hbm4b:s2+s8], $0x80, s3, s8, $0xb8;
	[tilespmem:$0x4080] =	vst v63  }
0x1f: {  	_ =	swait.ge [sflag:s9], $0x4000  }
.Ltmp0:
0x20: {  	[sflag:s9] =	ssyncset.done $0x0;
	(pc) =	sbr.rel @p0 .LBB2_2-.Ltmp0, $4  }
0x21: {  	[sflag:s9] =	ssyncadd.s32 $0xFFFFC000  }
0x22: {  	[hbm4b:s11+s3] =	stream.linear.scatter [tilespmem:s8], [sflag:$0x2], $0x4000, $0x38;
	[tilespmem:$0x4080] =	vst v63  }
0x23: {  	_ =	swait.ge [sflag:s7], $0x4000  }
0x24: {  	s13 =	smov.u32 s15;
	s11 =	sadd.s32 $0x800, s11;
	[sflag:s7] =	ssyncset.done $0x0  }
0x25: {  	s12 =	sadd.s32 s12, s6;
	[sflag:s7] =	ssyncadd.s32 $0xFFFFC000  }
0x26: {  	[tilespmem:s3], [sflag:$0x2] =	stream.linear.gather [hbm4b:s12+s3], $0x80, $0x38;
	[tilespmem:$0x4080] =	vst v63  }
0x27: {  	_ =	swait.ge [sflag:s7], $0x80  }
0x28: {  	[sflag:s7] =	ssyncset.done $0x0  }
0x29: {  	[sflag:s7] =	ssyncadd.s32 $0xFFFFFF80  }
0x2a: {  	[tilespmem:s8], [sflag:$0x1] =	stream.indirect.gather [hbm4b:s2+s8], $0x80, s3, s8, $0xb8;
	[tilespmem:$0x4080] =	vst v63  }
0x2b: {  	s10 =	sadd.s32 $0x1, s10;
	_ =	swait.ge [sflag:s9], $0x4000  }
0x2c: {  	p0 =	sne.s32 s10, s4;
	[sflag:s9] =	ssyncset.done $0x0  }
.Ltmp1:
0x2d: {  	[sflag:s9] =	ssyncadd.s32 $0xFFFFC000;
	(pc) =	sbr.rel @p0 .LBB2_1-.Ltmp1, $4  }
0x2e: {  	[hbm4b:s11+s3] =	stream.linear.scatter [tilespmem:s8], [sflag:$0x2], $0x4000, $0x38;
	[tilespmem:$0x4080] =	vst v63  }
0x2f: {  	_ =	swait.ge [sflag:s7], $0x4000  }
0x30: {  	[sflag:s7] =	ssyncset.done $0x0  }
0x31: {  	[sflag:s7] =	ssyncadd.s32 $0xFFFFC000  }
0x32: {  	_ =	sfence.sel $0x180000  }
0x33: {  	[bflag:$0x0] =	sbarrier.arrive $0xFFFF  }
0x34: {  	p0 =	sne.s32 s1, $0x0;
	_ =	strace $0x90000047  }
0x35: {  	s0 =	sadd.s32 @!p0 $0x100000, s0;
	[bflag:$0x2] =	sbarrier.arrive $0xFFFF  }
0x36: {  	[sflag:s0] =	ssyncadd.tile.s32 @!p0 $0x1;
	_ =	shalt  }
.Lfunc_end2:
_tile_overlayer_lowered:
.L_overlay_start_2:
0x37: {  	(tag) =	ssettag $0x2  }
0x38: {  	s0 =	rddreg [dreg:$0x0];
	s2 =	stileid.u32  }
0x39: {  	s1 =	rddreg [dreg:$0x1];
	p0 =	sne.s32 s2, $0x0  }
0x3a: {  	s3 =	rddreg [dreg:$0x2];
	[bflag:$0x3] =	sbarrier.arrive $0xFFFF;
	s2 =	simm.s32 @!p0 $0x1C02  }
0x3b: {  	[timem:s3], [sflag:s2] =	dma.local @!p0 [hbm:s0], s1  }
0x3c: {  	s0 =	simm.s32 @!p0 $0x2  }
0x3d: {  	_ =	swait.ge @!p0 [sflag:s0], s1  }
0x3e: {  	s1 =	ssub.s32 @!p0 $0x0, s1;
	[sflag:s0] =	ssyncset.done @!p0 $0x0  }
0x3f: {  	[sflag:s0] =	ssyncadd.s32 @!p0 s1  }
0x40: {  	[bflag:$0x3] =	sbarrier.arrive $0xFFFF  }
0x41: {  	_ =	shalt  }

</sc_bundles>
